<compile_context>
chip_gen: v7x
topology: tpu7x:2x2x1
jax: 0.10.2.dev20260603
libtpu: 0.0.44.dev20260713+nightly
codegen_flags: <defaults>
</compile_context>

<pallas_src>
import functools

import jax
import jax.numpy as jnp
from jax import lax
from jax.experimental import pallas as pl
from jax.experimental.pallas import tpu as pltpu
from jax.experimental.pallas import tpu_sc as plsc

N_NODES = 10000
N_EDGES = 320000
D = 128

NC = 2
NS = 16
NW = NC * NS
E_PER_TILE = N_EDGES // NW
CHUNK = 80
N_CHUNKS = E_PER_TILE // CHUNK
GROUP = 25
N_GROUPS = N_CHUNKS // GROUP
G_PAIRS = (GROUP - 1) // 2
ROWS_PER_TILE = N_NODES // NS


def _sc_body(with_counts, *refs):
    if with_counts:
        (x_hbm, src_hbm, dst_hbm, zfull_hbm, zflat_hbm,
         sums_hbm, cnt_hbm,
         src_b, dst_b, rows_a, rows_b, cnt_v, acc_sh,
         gsem_a, gsem_b) = refs
    else:
        (x_hbm, src_hbm, dst_hbm, zfull_hbm,
         sums_hbm,
         src_b, dst_b, rows_a, rows_b, acc_sh,
         gsem_a, gsem_b) = refs

    c = lax.axis_index("c")
    s = lax.axis_index("s")
    wid = c * NS + s

    pltpu.sync_copy(zfull_hbm, acc_sh.at[pl.ds(s * ROWS_PER_TILE, ROWS_PER_TILE)])

    if with_counts:
        pltpu.sync_copy(zflat_hbm, cnt_v)

    plsc.subcore_barrier()

    ones16 = jnp.ones((16,), jnp.float32)

    def counts(ci):
        if with_counts:
            for j in range(CHUNK // 16):
                idx16 = dst_b[ci, pl.ds(j * 16, 16)]
                plsc.addupdate_scatter(cnt_v, [idx16], ones16)

    def start_gather(ci, rows, sem):
        pltpu.async_copy(x_hbm.at[src_b.at[ci]], rows, sem)

    def wait_gather(ci, rows, sem):
        pltpu.make_async_copy(x_hbm.at[src_b.at[ci]], rows, sem).wait()

    def scatter(ci, rows):
        pltpu.sync_copy(rows, acc_sh.at[dst_b.at[ci]], add=True)

    def group_body(g, carry):
        pltpu.sync_copy(src_hbm.at[wid, g], src_b)
        pltpu.sync_copy(dst_hbm.at[wid, g], dst_b)

        pltpu.sync_copy(x_hbm.at[src_b.at[0]], rows_a)
        counts(0)
        scatter(0, rows_a)
        start_gather(1, rows_b, gsem_b)

        def pair_body(p, carry2):
            c1 = 2 * p + 1
            c2 = c1 + 1
            start_gather(c2, rows_a, gsem_a)
            counts(c1)
            wait_gather(c1, rows_b, gsem_b)
            scatter(c1, rows_b)

            @pl.when(p < G_PAIRS - 1)
            def _next():
                start_gather(c2 + 1, rows_b, gsem_b)

            counts(c2)
            wait_gather(c2, rows_a, gsem_a)
            scatter(c2, rows_a)
            return carry2

        lax.fori_loop(0, G_PAIRS, pair_body, 0)
        return carry

    lax.fori_loop(0, N_GROUPS, group_body, 0)

    plsc.subcore_barrier()

    r0 = s * ROWS_PER_TILE
    pltpu.sync_copy(acc_sh.at[pl.ds(r0, ROWS_PER_TILE)],
                    sums_hbm.at[c, s])
    if with_counts:
        pltpu.sync_copy(cnt_v, cnt_hbm.at[wid, 0])


_MESH = plsc.VectorSubcoreMesh(core_axis_name="c", subcore_axis_name="s")

_sc_agg_cnt = pl.kernel(
    functools.partial(_sc_body, True),
    out_type=[jax.ShapeDtypeStruct((NC, NS, ROWS_PER_TILE, D), jnp.float32),
              jax.ShapeDtypeStruct((NW, 1, N_NODES), jnp.float32)],
    mesh=_MESH,
    compiler_params=pltpu.CompilerParams(needs_layout_passes=False),
    scratch_types=[
        pltpu.VMEM((GROUP, CHUNK), jnp.int32),
        pltpu.VMEM((GROUP, CHUNK), jnp.int32),
        pltpu.VMEM((CHUNK, D), jnp.float32),
        pltpu.VMEM((CHUNK, D), jnp.float32),
        pltpu.VMEM((N_NODES,), jnp.float32),
        pltpu.VMEM_SHARED((N_NODES, D), jnp.float32),
        pltpu.SemaphoreType.DMA,
        pltpu.SemaphoreType.DMA,
    ],
)

_sc_agg = pl.kernel(
    functools.partial(_sc_body, False),
    out_type=[jax.ShapeDtypeStruct((NC, NS, ROWS_PER_TILE, D), jnp.float32)],
    mesh=_MESH,
    compiler_params=pltpu.CompilerParams(needs_layout_passes=False),
    scratch_types=[
        pltpu.VMEM((GROUP, CHUNK), jnp.int32),
        pltpu.VMEM((GROUP, CHUNK), jnp.int32),
        pltpu.VMEM((CHUNK, D), jnp.float32),
        pltpu.VMEM((CHUNK, D), jnp.float32),
        pltpu.VMEM_SHARED((N_NODES, D), jnp.float32),
        pltpu.SemaphoreType.DMA,
        pltpu.SemaphoreType.DMA,
    ],
)


def _tc_body(relu, p_ref, c_ref, x_ref, wl_ref, wr_ref, b_ref, o_ref):
    cnt = jnp.sum(c_ref[...], axis=1, keepdims=True)
    inv = 1.0 / jnp.maximum(cnt, 1.0)
    agg = (p_ref[0] + p_ref[1]) * inv
    r = jnp.dot(agg, wl_ref[...], preferred_element_type=jnp.float32)
    r = r + jnp.dot(x_ref[...], wr_ref[...], preferred_element_type=jnp.float32)
    r = r + b_ref[...]
    o_ref[...] = jnp.maximum(r, 0.0) if relu else r


_BLK = 400


def _tc_layer(relu, p, cnt_t, x, wl, wr, b):
    grid = (N_NODES // _BLK,)
    return pl.pallas_call(
        functools.partial(_tc_body, relu),
        grid=grid,
        in_specs=[
            pl.BlockSpec((NC, _BLK, D), lambda i: (0, i, 0)),
            pl.BlockSpec((_BLK, NW), lambda i: (i, 0)),
            pl.BlockSpec((_BLK, D), lambda i: (i, 0)),
            pl.BlockSpec((D, D), lambda i: (0, 0)),
            pl.BlockSpec((D, D), lambda i: (0, 0)),
            pl.BlockSpec((1, D), lambda i: (0, 0)),
        ],
        out_specs=pl.BlockSpec((_BLK, D), lambda i: (i, 0)),
        out_shape=jax.ShapeDtypeStruct((N_NODES, D), jnp.float32),
    )(p, cnt_t, x, wl, wr, b)


def kernel(x, edge_index, W_l1, W_r1, b1, W_l2, W_r2, b2):
    src = edge_index[0].astype(jnp.int32).reshape(NW, N_GROUPS, GROUP, CHUNK)
    dst = edge_index[1].astype(jnp.int32).reshape(NW, N_GROUPS, GROUP, CHUNK)
    zfull = jnp.zeros((ROWS_PER_TILE, D), jnp.float32)
    zflat = jnp.zeros((N_NODES,), jnp.float32)

    sums1, cnt = _sc_agg_cnt(x, src, dst, zfull, zflat)
    sums1 = sums1.reshape(NC, N_NODES, D)
    cnt_t = cnt.reshape(NW, N_NODES).T
    h = _tc_layer(True, sums1, cnt_t, x, W_l1, W_r1, b1.reshape(1, D))
    sums2, = _sc_agg(h, src, dst, zfull)
    sums2 = sums2.reshape(NC, N_NODES, D)
    out = _tc_layer(False, sums2, cnt_t, h, W_l2, W_r2, b2.reshape(1, D))
    return out

# --- scband reference (transcript-rebuilt; emitter-appended) ---
"""Pipeline reference for scband-graph-sage-1683627180428 (READ-ONLY COPY).

The authoritative reference and input builder live on the scoring server;
editing this copy changes nothing except your own understanding.
"""

import jax, jax.numpy as jnp
import numpy as np

N_NODES = 10000
N_EDGES = 320000
D_IN = 128
D_HID = 128
D_OUT = 128


def setup_inputs(seed: int = 0) -> dict:
    key = jax.random.key(seed)
    ks = jax.random.split(key, 9)
    x = jax.random.normal(ks[0], (N_NODES, D_IN), dtype=jnp.float32)
    edge_index = jax.random.randint(ks[1], (2, N_EDGES), 0, N_NODES, dtype=jnp.int64)
    s1 = 1.0 / np.sqrt(D_IN)
    s2 = 1.0 / np.sqrt(D_HID)
    W_l1 = jax.random.uniform(ks[2], (D_IN, D_HID), jnp.float32, -s1, s1)
    W_r1 = jax.random.uniform(ks[3], (D_IN, D_HID), jnp.float32, -s1, s1)
    b1 = jax.random.uniform(ks[4], (D_HID,), jnp.float32, -s1, s1)
    W_l2 = jax.random.uniform(ks[5], (D_HID, D_OUT), jnp.float32, -s2, s2)
    W_r2 = jax.random.uniform(ks[6], (D_HID, D_OUT), jnp.float32, -s2, s2)
    b2 = jax.random.uniform(ks[7], (D_OUT,), jnp.float32, -s2, s2)
    return {"x": x, "edge_index": edge_index, "W_l1": W_l1, "W_r1": W_r1, "b1": b1, "W_l2": W_l2, "W_r2": W_r2, "b2": b2}


def _sage_conv(x, src, dst, W_l, W_r, b, num_nodes):
    # mean aggregation of neighbor messages (gather from src, scatter-add to dst)
    msg = jnp.take(x, src, axis=0)
    agg = jax.ops.segment_sum(msg, dst, num_segments=num_nodes)
    cnt = jax.ops.segment_sum(jnp.ones((msg.shape[0], 1), dtype=x.dtype), dst, num_segments=num_nodes)
    agg = agg / jnp.clip(cnt, 1.0, None)
    return agg @ W_l + x @ W_r + b


def reference(x, edge_index, W_l1, W_r1, b1, W_l2, W_r2, b2):
    src = edge_index[0]
    dst = edge_index[1]
    h = _sage_conv(x, src, dst, W_l1, W_r1, b1, N_NODES)
    h = jax.nn.relu(h)
    # dropout is identity in eval mode
    out = _sage_conv(h, src, dst, W_l2, W_r2, b2, N_NODES)
    return out

if __name__ == "__main__":
    import jax
    _d = setup_inputs()
    print(jax.jit(kernel)(*tuple(_d.values())))

</pallas_src>

<mosaic_0001>
#map = affine_map<(d0, d1) -> (0, 0)>
#map1 = affine_map<(d0, d1) -> (0, 0, 0, 0)>
#map2 = affine_map<(d0, d1) -> (0)>
#map3 = affine_map<(d0, d1) -> (0, 0, 0)>
module attributes {stable_mosaic.version = 14 : i64} {
  func.func @_sc_body(%arg0: i32, %arg1: i32, %arg2: memref<10000x128xf32, #tpu.memory_space<hbm>>, %arg3: memref<32x5x25x80xi32, #tpu.memory_space<hbm>>, %arg4: memref<32x5x25x80xi32, #tpu.memory_space<hbm>>, %arg5: memref<625x128xf32, #tpu.memory_space<hbm>>, %arg6: memref<10000xf32, #tpu.memory_space<hbm>>, %arg7: memref<2x16x625x128xf32, #tpu.memory_space<hbm>>, %arg8: memref<32x1x10000xf32, #tpu.memory_space<hbm>>, %arg9: memref<25x80xi32, #tpu.memory_space<vmem>>, %arg10: memref<25x80xi32, #tpu.memory_space<vmem>>, %arg11: memref<80x128xf32, #tpu.memory_space<vmem>>, %arg12: memref<80x128xf32, #tpu.memory_space<vmem>>, %arg13: memref<10000xf32, #tpu.memory_space<vmem>>, %arg14: memref<10000x128xf32, #tpu.memory_space<vmem_shared>>, %arg15: memref<!tpu.dma_semaphore, #tpu.memory_space<semaphore_mem>>, %arg16: memref<!tpu.dma_semaphore, #tpu.memory_space<semaphore_mem>>) attributes {dimension_semantics = [#tpu.dimension_semantics<core_parallel>, #tpu.dimension_semantics<subcore_parallel>], iteration_bounds = array<i64: 2, 16>, scalar_prefetch = 0 : i64, scratch_operands = 8 : i64, tpu.core_type = #tpu.core_type<sc_vector_subcore>, window_params = [{transform_indices = #map}, {transform_indices = #map1}, {transform_indices = #map1}, {transform_indices = #map}, {transform_indices = #map2}, {transform_indices = #map1}, {transform_indices = #map3}]} {
    %mul3A = arith.constant 16 : i32
    %mul3A_0 = arith.muli %arg0, %mul3A : i32
    %add3A = arith.addi %mul3A_0, %arg1 : i32
    %mul3A_1 = arith.constant 625 : i32
    %mul3A_2 = arith.muli %arg1, %mul3A_1 : i32
    "tpu.region"() ({
      %run_scoped3A_12 = tpu.sem_alloc : memref<!tpu.dma_semaphore, #tpu.memory_space<semaphore_mem>>
      %dma_start3A = arith.constant 0 : i32
      %dma_start3A_13 = tpu.memref_slice %arg14[%mul3A_2, %dma_start3A] : memref<10000x128xf32, #tpu.memory_space<vmem_shared>> -> memref<625x128xf32, #tpu.memory_space<vmem_shared>>
      tpu.enqueue_dma source(%arg5 : memref<625x128xf32, #tpu.memory_space<hbm>>) target(%dma_start3A_13 : memref<625x128xf32, #tpu.memory_space<vmem_shared>>) target_semaphore(%run_scoped3A_12 : memref<!tpu.dma_semaphore, #tpu.memory_space<semaphore_mem>>)
      %dma_wait3A = arith.constant 0 : i32
      %dma_wait3A_14 = tpu.memref_slice %arg14[%mul3A_2, %dma_wait3A] : memref<10000x128xf32, #tpu.memory_space<vmem_shared>> -> memref<625x128xf32, #tpu.memory_space<vmem_shared>>
      tpu.wait_dma2 semaphore(%run_scoped3A_12 : memref<!tpu.dma_semaphore, #tpu.memory_space<semaphore_mem>>) src(%arg5 : memref<625x128xf32, #tpu.memory_space<hbm>>) dst(%dma_wait3A_14 : memref<625x128xf32, #tpu.memory_space<vmem_shared>>)
      tpu.yield
    }) : () -> ()
    "tpu.region"() ({
      %run_scoped3A_12 = tpu.sem_alloc : memref<!tpu.dma_semaphore, #tpu.memory_space<semaphore_mem>>
      tpu.enqueue_dma source(%arg6 : memref<10000xf32, #tpu.memory_space<hbm>>) target(%arg13 : memref<10000xf32, #tpu.memory_space<vmem>>) target_semaphore(%run_scoped3A_12 : memref<!tpu.dma_semaphore, #tpu.memory_space<semaphore_mem>>)
      tpu.wait_dma2 semaphore(%run_scoped3A_12 : memref<!tpu.dma_semaphore, #tpu.memory_space<semaphore_mem>>) src(%arg6 : memref<10000xf32, #tpu.memory_space<hbm>>) dst(%arg13 : memref<10000xf32, #tpu.memory_space<vmem>>)
      tpu.yield
    }) : () -> ()
    %barrier3A = arith.constant 0 : index
    tpu.barrier barrier_id(%barrier3A)
    %broadcast_in_dim3A = arith.constant 1.000000e+00 : f32
    %broadcast_in_dim3A_3 = vector.broadcast %broadcast_in_dim3A : f32 to vector<16xf32>
    %scan3A = arith.constant 0 : i32
    %scan3A_4 = arith.constant 0 : i32
    %scan3A_5 = arith.constant 5 : i32
    %scan3A_6 = arith.addi %scan3A_4, %scan3A_5 : i32
    %scan3A_7 = arith.constant 1 : i32
    scf.for %scan3A_12 = %scan3A_4 to %scan3A_6 step %scan3A_7  : i32 {
      "tpu.region"() ({
        %run_scoped3A_46 = tpu.sem_alloc : memref<!tpu.dma_semaphore, #tpu.memory_space<semaphore_mem>>
        %dma_start3A_47 = arith.constant 0 : i32
        %dma_start3A_48 = arith.constant 0 : i32
        %dma_start3A_49 = tpu.memref_slice %arg3[%add3A, %scan3A_12, %dma_start3A_47, %dma_start3A_48] : memref<32x5x25x80xi32, #tpu.memory_space<hbm>> -> memref<1x1x25x80xi32, #tpu.memory_space<hbm>>
        %dma_start3A_50 = tpu.memref_squeeze %dma_start3A_49 : memref<1x1x25x80xi32, #tpu.memory_space<hbm>> -> memref<25x80xi32, #tpu.memory_space<hbm>>
        %dma_start3A_51 = arith.constant 0 : i32
        %dma_start3A_52 = arith.constant 0 : i32
        %dma_start3A_53 = tpu.memref_slice %arg3[%add3A, %scan3A_12, %dma_start3A_51, %dma_start3A_52] : memref<32x5x25x80xi32, #tpu.memory_space<hbm>> -> memref<1x1x25x80xi32, #tpu.memory_space<hbm>>
        %dma_start3A_54 = tpu.memref_squeeze %dma_start3A_53 : memref<1x1x25x80xi32, #tpu.memory_space<hbm>> -> memref<25x80xi32, #tpu.memory_space<hbm>>
        tpu.enqueue_dma source(%dma_start3A_54 : memref<25x80xi32, #tpu.memory_space<hbm>>) target(%arg9 : memref<25x80xi32, #tpu.memory_space<vmem>>) target_semaphore(%run_scoped3A_46 : memref<!tpu.dma_semaphore, #tpu.memory_space<semaphore_mem>>)
        %dma_wait3A = arith.constant 0 : i32
        %dma_wait3A_55 = arith.constant 0 : i32
        %dma_wait3A_56 = tpu.memref_slice %arg3[%add3A, %scan3A_12, %dma_wait3A, %dma_wait3A_55] : memref<32x5x25x80xi32, #tpu.memory_space<hbm>> -> memref<1x1x25x80xi32, #tpu.memory_space<hbm>>
        %dma_wait3A_57 = tpu.memref_squeeze %dma_wait3A_56 : memref<1x1x25x80xi32, #tpu.memory_space<hbm>> -> memref<25x80xi32, #tpu.memory_space<hbm>>
        %dma_wait3A_58 = arith.constant 0 : i32
        %dma_wait3A_59 = arith.constant 0 : i32
        %dma_wait3A_60 = tpu.memref_slice %arg3[%add3A, %scan3A_12, %dma_wait3A_58, %dma_wait3A_59] : memref<32x5x25x80xi32, #tpu.memory_space<hbm>> -> memref<1x1x25x80xi32, #tpu.memory_space<hbm>>
        %dma_wait3A_61 = tpu.memref_squeeze %dma_wait3A_60 : memref<1x1x25x80xi32, #tpu.memory_space<hbm>> -> memref<25x80xi32, #tpu.memory_space<hbm>>
        tpu.wait_dma2 semaphore(%run_scoped3A_46 : memref<!tpu.dma_semaphore, #tpu.memory_space<semaphore_mem>>) src(%dma_wait3A_61 : memref<25x80xi32, #tpu.memory_space<hbm>>) dst(%arg9 : memref<25x80xi32, #tpu.memory_space<vmem>>)
        tpu.yield
      }) : () -> ()
      "tpu.region"() ({
        %run_scoped3A_46 = tpu.sem_alloc : memref<!tpu.dma_semaphore, #tpu.memory_space<semaphore_mem>>
        %dma_start3A_47 = arith.constant 0 : i32
        %dma_start3A_48 = arith.constant 0 : i32
        %dma_start3A_49 = tpu.memref_slice %arg4[%add3A, %scan3A_12, %dma_start3A_47, %dma_start3A_48] : memref<32x5x25x80xi32, #tpu.memory_space<hbm>> -> memref<1x1x25x80xi32, #tpu.memory_space<hbm>>
        %dma_start3A_50 = tpu.memref_squeeze %dma_start3A_49 : memref<1x1x25x80xi32, #tpu.memory_space<hbm>> -> memref<25x80xi32, #tpu.memory_space<hbm>>
        %dma_start3A_51 = arith.constant 0 : i32
        %dma_start3A_52 = arith.constant 0 : i32
        %dma_start3A_53 = tpu.memref_slice %arg4[%add3A, %scan3A_12, %dma_start3A_51, %dma_start3A_52] : memref<32x5x25x80xi32, #tpu.memory_space<hbm>> -> memref<1x1x25x80xi32, #tpu.memory_space<hbm>>
        %dma_start3A_54 = tpu.memref_squeeze %dma_start3A_53 : memref<1x1x25x80xi32, #tpu.memory_space<hbm>> -> memref<25x80xi32, #tpu.memory_space<hbm>>
        tpu.enqueue_dma source(%dma_start3A_54 : memref<25x80xi32, #tpu.memory_space<hbm>>) target(%arg10 : memref<25x80xi32, #tpu.memory_space<vmem>>) target_semaphore(%run_scoped3A_46 : memref<!tpu.dma_semaphore, #tpu.memory_space<semaphore_mem>>)
        %dma_wait3A = arith.constant 0 : i32
        %dma_wait3A_55 = arith.constant 0 : i32
        %dma_wait3A_56 = tpu.memref_slice %arg4[%add3A, %scan3A_12, %dma_wait3A, %dma_wait3A_55] : memref<32x5x25x80xi32, #tpu.memory_space<hbm>> -> memref<1x1x25x80xi32, #tpu.memory_space<hbm>>
        %dma_wait3A_57 = tpu.memref_squeeze %dma_wait3A_56 : memref<1x1x25x80xi32, #tpu.memory_space<hbm>> -> memref<25x80xi32, #tpu.memory_space<hbm>>
        %dma_wait3A_58 = arith.constant 0 : i32
        %dma_wait3A_59 = arith.constant 0 : i32
        %dma_wait3A_60 = tpu.memref_slice %arg4[%add3A, %scan3A_12, %dma_wait3A_58, %dma_wait3A_59] : memref<32x5x25x80xi32, #tpu.memory_space<hbm>> -> memref<1x1x25x80xi32, #tpu.memory_space<hbm>>
        %dma_wait3A_61 = tpu.memref_squeeze %dma_wait3A_60 : memref<1x1x25x80xi32, #tpu.memory_space<hbm>> -> memref<25x80xi32, #tpu.memory_space<hbm>>
        tpu.wait_dma2 semaphore(%run_scoped3A_46 : memref<!tpu.dma_semaphore, #tpu.memory_space<semaphore_mem>>) src(%dma_wait3A_61 : memref<25x80xi32, #tpu.memory_space<hbm>>) dst(%arg10 : memref<25x80xi32, #tpu.memory_space<vmem>>)
        tpu.yield
      }) : () -> ()
      %run_scoped3A_13 = arith.constant 0 : i32
      "tpu.region"() ({
        %run_scoped3A_46 = tpu.sem_alloc : memref<!tpu.dma_semaphore, #tpu.memory_space<semaphore_mem>>
        %dma_start3A_47 = arith.constant 0 : i32
        %dma_start3A_48 = tpu.memref_slice %arg9[%run_scoped3A_13, %dma_start3A_47] : memref<25x80xi32, #tpu.memory_space<vmem>> -> memref<1x80xi32, #tpu.memory_space<vmem>>
        %dma_start3A_49 = tpu.memref_squeeze %dma_start3A_48 : memref<1x80xi32, #tpu.memory_space<vmem>> -> memref<80xi32, #tpu.memory_space<vmem>>
        %dma_start3A_50 = arith.constant 0 : i32
        %dma_start3A_51 = arith.constant 0 : i32
        %dma_start3A_52 = tpu.memref_slice %arg2[%dma_start3A_50, %dma_start3A_51] : memref<10000x128xf32, #tpu.memory_space<hbm>> -> memref<10000x128xf32, #tpu.memory_space<hbm>>
        tpu.enqueue_indirect_dma source(%dma_start3A_52 : memref<10000x128xf32, #tpu.memory_space<hbm>>) target(%arg11 : memref<80x128xf32, #tpu.memory_space<vmem>>) offsets(%dma_start3A_49 : memref<80xi32, #tpu.memory_space<vmem>>) semaphore(%run_scoped3A_46 : memref<!tpu.dma_semaphore, #tpu.memory_space<semaphore_mem>>)
        %dma_wait3A = arith.constant 0 : i32
        %dma_wait3A_53 = tpu.memref_slice %arg9[%run_scoped3A_13, %dma_wait3A] : memref<25x80xi32, #tpu.memory_space<vmem>> -> memref<1x80xi32, #tpu.memory_space<vmem>>
        %dma_wait3A_54 = tpu.memref_squeeze %dma_wait3A_53 : memref<1x80xi32, #tpu.memory_space<vmem>> -> memref<80xi32, #tpu.memory_space<vmem>>
        %dma_wait3A_55 = arith.constant 0 : i32
        %dma_wait3A_56 = arith.constant 0 : i32
        %dma_wait3A_57 = tpu.memref_slice %arg2[%dma_wait3A_55, %dma_wait3A_56] : memref<10000x128xf32, #tpu.memory_space<hbm>> -> memref<10000x128xf32, #tpu.memory_space<hbm>>
        tpu.wait_indirect_dma semaphore(%run_scoped3A_46 : memref<!tpu.dma_semaphore, #tpu.memory_space<semaphore_mem>>) src(%dma_wait3A_57 : memref<10000x128xf32, #tpu.memory_space<hbm>>) dst(%arg11 : memref<80x128xf32, #tpu.memory_space<vmem>>)
        tpu.yield
      }) : () -> ()
      %get3A = arith.constant 0 : i32
      %get3A_14 = arith.index_cast %get3A : i32 to index
      %get3A_15 = arith.constant 0 : index
      %get3A_16 = tpu.vector_load %arg10[%get3A_14, %get3A_15] {strides = array<i32>} : memref<25x80xi32, #tpu.memory_space<vmem>>, vector<16xi32>,
      tpu.vector_store_idx %arg13[%get3A_16], %broadcast_in_dim3A_3 {add = true} : memref<10000xf32, #tpu.memory_space<vmem>>[vector<16xi32>], vector<16xf32>,
      %get3A_17 = arith.constant 0 : i32
      %get3A_18 = arith.index_cast %get3A_17 : i32 to index
      %get3A_19 = arith.constant 16 : index
      %get3A_20 = tpu.vector_load %arg10[%get3A_18, %get3A_19] {strides = array<i32>} : memref<25x80xi32, #tpu.memory_space<vmem>>, vector<16xi32>,
      tpu.vector_store_idx %arg13[%get3A_20], %broadcast_in_dim3A_3 {add = true} : memref<10000xf32, #tpu.memory_space<vmem>>[vector<16xi32>], vector<16xf32>,
      %get3A_21 = arith.constant 0 : i32
      %get3A_22 = arith.index_cast %get3A_21 : i32 to index
      %get3A_23 = arith.constant 32 : index
      %get3A_24 = tpu.vector_load %arg10[%get3A_22, %get3A_23] {strides = array<i32>} : memref<25x80xi32, #tpu.memory_space<vmem>>, vector<16xi32>,
      tpu.vector_store_idx %arg13[%get3A_24], %broadcast_in_dim3A_3 {add = true} : memref<10000xf32, #tpu.memory_space<vmem>>[vector<16xi32>], vector<16xf32>,
      %get3A_25 = arith.constant 0 : i32
      %get3A_26 = arith.index_cast %get3A_25 : i32 to index
      %get3A_27 = arith.constant 48 : index
      %get3A_28 = tpu.vector_load %arg10[%get3A_26, %get3A_27] {strides = array<i32>} : memref<25x80xi32, #tpu.memory_space<vmem>>, vector<16xi32>,
      tpu.vector_store_idx %arg13[%get3A_28], %broadcast_in_dim3A_3 {add = true} : memref<10000xf32, #tpu.memory_space<vmem>>[vector<16xi32>], vector<16xf32>,
      %get3A_29 = arith.constant 0 : i32
      %get3A_30 = arith.index_cast %get3A_29 : i32 to index
      %get3A_31 = arith.constant 64 : index
      %get3A_32 = tpu.vector_load %arg10[%get3A_30, %get3A_31] {strides = array<i32>} : memref<25x80xi32, #tpu.memory_space<vmem>>, vector<16xi32>,
      tpu.vector_store_idx %arg13[%get3A_32], %broadcast_in_dim3A_3 {add = true} : memref<10000xf32, #tpu.memory_space<vmem>>[vector<16xi32>], vector<16xf32>,
      %run_scoped3A_33 = arith.constant 0 : i32
      "tpu.region"() ({
        %run_scoped3A_46 = tpu.sem_alloc : memref<!tpu.dma_semaphore, #tpu.memory_space<semaphore_mem>>
        %dma_start3A_47 = arith.constant 0 : i32
        %dma_start3A_48 = tpu.memref_slice %arg10[%run_scoped3A_33, %dma_start3A_47] : memref<25x80xi32, #tpu.memory_space<vmem>> -> memref<1x80xi32, #tpu.memory_space<vmem>>
        %dma_start3A_49 = tpu.memref_squeeze %dma_start3A_48 : memref<1x80xi32, #tpu.memory_space<vmem>> -> memref<80xi32, #tpu.memory_space<vmem>>
        %dma_start3A_50 = arith.constant 0 : i32
        %dma_start3A_51 = arith.constant 0 : i32
        %dma_start3A_52 = tpu.memref_slice %arg14[%dma_start3A_50, %dma_start3A_51] : memref<10000x128xf32, #tpu.memory_space<vmem_shared>> -> memref<10000x128xf32, #tpu.memory_space<vmem_shared>>
        tpu.enqueue_indirect_dma source(%arg11 : memref<80x128xf32, #tpu.memory_space<vmem>>) target(%dma_start3A_52 : memref<10000x128xf32, #tpu.memory_space<vmem_shared>>) offsets(%dma_start3A_49 : memref<80xi32, #tpu.memory_space<vmem>>) semaphore(%run_scoped3A_46 : memref<!tpu.dma_semaphore, #tpu.memory_space<semaphore_mem>>) {add = true}
        %dma_wait3A = arith.constant 0 : i32
        %dma_wait3A_53 = tpu.memref_slice %arg10[%run_scoped3A_33, %dma_wait3A] : memref<25x80xi32, #tpu.memory_space<vmem>> -> memref<1x80xi32, #tpu.memory_space<vmem>>
        %dma_wait3A_54 = tpu.memref_squeeze %dma_wait3A_53 : memref<1x80xi32, #tpu.memory_space<vmem>> -> memref<80xi32, #tpu.memory_space<vmem>>
        %dma_wait3A_55 = arith.constant 0 : i32
        %dma_wait3A_56 = arith.constant 0 : i32
        %dma_wait3A_57 = tpu.memref_slice %arg14[%dma_wait3A_55, %dma_wait3A_56] : memref<10000x128xf32, #tpu.memory_space<vmem_shared>> -> memref<10000x128xf32, #tpu.memory_space<vmem_shared>>
        tpu.wait_indirect_dma semaphore(%run_scoped3A_46 : memref<!tpu.dma_semaphore, #tpu.memory_space<semaphore_mem>>) src(%arg11 : memref<80x128xf32, #tpu.memory_space<vmem>>) dst(%dma_wait3A_57 : memref<10000x128xf32, #tpu.memory_space<vmem_shared>>)
        tpu.yield
      }) : () -> ()
      %dma_start3A = arith.constant 1 : i32
      %dma_start3A_34 = arith.constant 0 : i32
      %dma_start3A_35 = tpu.memref_slice %arg9[%dma_start3A, %dma_start3A_34] : memref<25x80xi32, #tpu.memory_space<vmem>> -> memref<1x80xi32, #tpu.memory_space<vmem>>
      %dma_start3A_36 = tpu.memref_squeeze %dma_start3A_35 : memref<1x80xi32, #tpu.memory_space<vmem>> -> memref<80xi32, #tpu.memory_space<vmem>>
      %dma_start3A_37 = arith.constant 0 : i32
      %dma_start3A_38 = arith.constant 0 : i32
      %dma_start3A_39 = tpu.memref_slice %arg2[%dma_start3A_37, %dma_start3A_38] : memref<10000x128xf32, #tpu.memory_space<hbm>> -> memref<10000x128xf32, #tpu.memory_space<hbm>>
      tpu.enqueue_indirect_dma source(%dma_start3A_39 : memref<10000x128xf32, #tpu.memory_space<hbm>>) target(%arg12 : memref<80x128xf32, #tpu.memory_space<vmem>>) offsets(%dma_start3A_36 : memref<80xi32, #tpu.memory_space<vmem>>) semaphore(%arg16 : memref<!tpu.dma_semaphore, #tpu.memory_space<semaphore_mem>>)
      %scan3A_40 = arith.constant 0 : i32
      %scan3A_41 = arith.constant 0 : i32
      %scan3A_42 = arith.constant 12 : i32
      %scan3A_43 = arith.addi %scan3A_41, %scan3A_42 : i32
      %scan3A_44 = arith.constant 1 : i32
      scf.for %scan3A_46 = %scan3A_41 to %scan3A_43 step %scan3A_44  : i32 {
        %mul3A_47 = arith.constant 2 : i32
        %mul3A_48 = arith.muli %mul3A_47, %scan3A_46 : i32
        %add3A_49 = arith.constant 1 : i32
        %add3A_50 = arith.addi %mul3A_48, %add3A_49 : i32
        %add3A_51 = arith.constant 1 : i32
        %add3A_52 = arith.addi %add3A_50, %add3A_51 : i32
        %dma_start3A_53 = arith.constant 0 : i32
        %dma_start3A_54 = tpu.memref_slice %arg9[%add3A_52, %dma_start3A_53] : memref<25x80xi32, #tpu.memory_space<vmem>> -> memref<1x80xi32, #tpu.memory_space<vmem>>
        %dma_start3A_55 = tpu.memref_squeeze %dma_start3A_54 : memref<1x80xi32, #tpu.memory_space<vmem>> -> memref<80xi32, #tpu.memory_space<vmem>>
        %dma_start3A_56 = arith.constant 0 : i32
        %dma_start3A_57 = arith.constant 0 : i32
        %dma_start3A_58 = tpu.memref_slice %arg2[%dma_start3A_56, %dma_start3A_57] : memref<10000x128xf32, #tpu.memory_space<hbm>> -> memref<10000x128xf32, #tpu.memory_space<hbm>>
        tpu.enqueue_indirect_dma source(%dma_start3A_58 : memref<10000x128xf32, #tpu.memory_space<hbm>>) target(%arg11 : memref<80x128xf32, #tpu.memory_space<vmem>>) offsets(%dma_start3A_55 : memref<80xi32, #tpu.memory_space<vmem>>) semaphore(%arg15 : memref<!tpu.dma_semaphore, #tpu.memory_space<semaphore_mem>>)
        %get3A_59 = arith.index_cast %add3A_50 : i32 to index
        %get3A_60 = arith.constant 0 : index
        %get3A_61 = tpu.vector_load %arg10[%get3A_59, %get3A_60] {strides = array<i32>} : memref<25x80xi32, #tpu.memory_space<vmem>>, vector<16xi32>,
        tpu.vector_store_idx %arg13[%get3A_61], %broadcast_in_dim3A_3 {add = true} : memref<10000xf32, #tpu.memory_space<vmem>>[vector<16xi32>], vector<16xf32>,
        %get3A_62 = arith.index_cast %add3A_50 : i32 to index
        %get3A_63 = arith.constant 16 : index
        %get3A_64 = tpu.vector_load %arg10[%get3A_62, %get3A_63] {strides = array<i32>} : memref<25x80xi32, #tpu.memory_space<vmem>>, vector<16xi32>,
        tpu.vector_store_idx %arg13[%get3A_64], %broadcast_in_dim3A_3 {add = true} : memref<10000xf32, #tpu.memory_space<vmem>>[vector<16xi32>], vector<16xf32>,
        %get3A_65 = arith.index_cast %add3A_50 : i32 to index
        %get3A_66 = arith.constant 32 : index
        %get3A_67 = tpu.vector_load %arg10[%get3A_65, %get3A_66] {strides = array<i32>} : memref<25x80xi32, #tpu.memory_space<vmem>>, vector<16xi32>,
        tpu.vector_store_idx %arg13[%get3A_67], %broadcast_in_dim3A_3 {add = true} : memref<10000xf32, #tpu.memory_space<vmem>>[vector<16xi32>], vector<16xf32>,
        %get3A_68 = arith.index_cast %add3A_50 : i32 to index
        %get3A_69 = arith.constant 48 : index
        %get3A_70 = tpu.vector_load %arg10[%get3A_68, %get3A_69] {strides = array<i32>} : memref<25x80xi32, #tpu.memory_space<vmem>>, vector<16xi32>,
        tpu.vector_store_idx %arg13[%get3A_70], %broadcast_in_dim3A_3 {add = true} : memref<10000xf32, #tpu.memory_space<vmem>>[vector<16xi32>], vector<16xf32>,
        %get3A_71 = arith.index_cast %add3A_50 : i32 to index
        %get3A_72 = arith.constant 64 : index
        %get3A_73 = tpu.vector_load %arg10[%get3A_71, %get3A_72] {strides = array<i32>} : memref<25x80xi32, #tpu.memory_space<vmem>>, vector<16xi32>,
        tpu.vector_store_idx %arg13[%get3A_73], %broadcast_in_dim3A_3 {add = true} : memref<10000xf32, #tpu.memory_space<vmem>>[vector<16xi32>], vector<16xf32>,
        %dma_wait3A = arith.constant 0 : i32
        %dma_wait3A_74 = tpu.memref_slice %arg9[%add3A_50, %dma_wait3A] : memref<25x80xi32, #tpu.memory_space<vmem>> -> memref<1x80xi32, #tpu.memory_space<vmem>>
        %dma_wait3A_75 = tpu.memref_squeeze %dma_wait3A_74 : memref<1x80xi32, #tpu.memory_space<vmem>> -> memref<80xi32, #tpu.memory_space<vmem>>
        %dma_wait3A_76 = arith.constant 0 : i32
        %dma_wait3A_77 = arith.constant 0 : i32
        %dma_wait3A_78 = tpu.memref_slice %arg2[%dma_wait3A_76, %dma_wait3A_77] : memref<10000x128xf32, #tpu.memory_space<hbm>> -> memref<10000x128xf32, #tpu.memory_space<hbm>>
        tpu.wait_indirect_dma semaphore(%arg16 : memref<!tpu.dma_semaphore, #tpu.memory_space<semaphore_mem>>) src(%dma_wait3A_78 : memref<10000x128xf32, #tpu.memory_space<hbm>>) dst(%arg12 : memref<80x128xf32, #tpu.memory_space<vmem>>)
        "tpu.region"() ({
          %run_scoped3A_102 = tpu.sem_alloc : memref<!tpu.dma_semaphore, #tpu.memory_space<semaphore_mem>>
          %dma_start3A_103 = arith.constant 0 : i32
          %dma_start3A_104 = tpu.memref_slice %arg10[%add3A_50, %dma_start3A_103] : memref<25x80xi32, #tpu.memory_space<vmem>> -> memref<1x80xi32, #tpu.memory_space<vmem>>
          %dma_start3A_105 = tpu.memref_squeeze %dma_start3A_104 : memref<1x80xi32, #tpu.memory_space<vmem>> -> memref<80xi32, #tpu.memory_space<vmem>>
          %dma_start3A_106 = arith.constant 0 : i32
          %dma_start3A_107 = arith.constant 0 : i32
          %dma_start3A_108 = tpu.memref_slice %arg14[%dma_start3A_106, %dma_start3A_107] : memref<10000x128xf32, #tpu.memory_space<vmem_shared>> -> memref<10000x128xf32, #tpu.memory_space<vmem_shared>>
          tpu.enqueue_indirect_dma source(%arg12 : memref<80x128xf32, #tpu.memory_space<vmem>>) target(%dma_start3A_108 : memref<10000x128xf32, #tpu.memory_space<vmem_shared>>) offsets(%dma_start3A_105 : memref<80xi32, #tpu.memory_space<vmem>>) semaphore(%run_scoped3A_102 : memref<!tpu.dma_semaphore, #tpu.memory_space<semaphore_mem>>) {add = true}
          %dma_wait3A_109 = arith.constant 0 : i32
          %dma_wait3A_110 = tpu.memref_slice %arg10[%add3A_50, %dma_wait3A_109] : memref<25x80xi32, #tpu.memory_space<vmem>> -> memref<1x80xi32, #tpu.memory_space<vmem>>
          %dma_wait3A_111 = tpu.memref_squeeze %dma_wait3A_110 : memref<1x80xi32, #tpu.memory_space<vmem>> -> memref<80xi32, #tpu.memory_space<vmem>>
          %dma_wait3A_112 = arith.constant 0 : i32
          %dma_wait3A_113 = arith.constant 0 : i32
          %dma_wait3A_114 = tpu.memref_slice %arg14[%dma_wait3A_112, %dma_wait3A_113] : memref<10000x128xf32, #tpu.memory_space<vmem_shared>> -> memref<10000x128xf32, #tpu.memory_space<vmem_shared>>
          tpu.wait_indirect_dma semaphore(%run_scoped3A_102 : memref<!tpu.dma_semaphore, #tpu.memory_space<semaphore_mem>>) src(%arg12 : memref<80x128xf32, #tpu.memory_space<vmem>>) dst(%dma_wait3A_114 : memref<10000x128xf32, #tpu.memory_space<vmem_shared>>)
          tpu.yield
        }) : () -> ()
        %lt3A = arith.constant 11 : i32
        %lt3A_79 = arith.cmpi slt, %scan3A_46, %lt3A : i32
        %convert_element_type3A = arith.extui %lt3A_79 : i1 to i32
        %cond3A = arith.constant 0 : i32
        %cond3A_80 = arith.cmpi ne, %convert_element_type3A, %cond3A : i32
        scf.if %cond3A_80 {
          %add3A_102 = arith.constant 1 : i32
          %add3A_103 = arith.addi %add3A_52, %add3A_102 : i32
          %dma_start3A_104 = arith.constant 0 : i32
          %dma_start3A_105 = tpu.memref_slice %arg9[%add3A_103, %dma_start3A_104] : memref<25x80xi32, #tpu.memory_space<vmem>> -> memref<1x80xi32, #tpu.memory_space<vmem>>
          %dma_start3A_106 = tpu.memref_squeeze %dma_start3A_105 : memref<1x80xi32, #tpu.memory_space<vmem>> -> memref<80xi32, #tpu.memory_space<vmem>>
          %dma_start3A_107 = arith.constant 0 : i32
          %dma_start3A_108 = arith.constant 0 : i32
          %dma_start3A_109 = tpu.memref_slice %arg2[%dma_start3A_107, %dma_start3A_108] : memref<10000x128xf32, #tpu.memory_space<hbm>> -> memref<10000x128xf32, #tpu.memory_space<hbm>>
          tpu.enqueue_indirect_dma source(%dma_start3A_109 : memref<10000x128xf32, #tpu.memory_space<hbm>>) target(%arg12 : memref<80x128xf32, #tpu.memory_space<vmem>>) offsets(%dma_start3A_106 : memref<80xi32, #tpu.memory_space<vmem>>) semaphore(%arg16 : memref<!tpu.dma_semaphore, #tpu.memory_space<semaphore_mem>>)
        } else {
        }
        %get3A_81 = arith.index_cast %add3A_52 : i32 to index
        %get3A_82 = arith.constant 0 : index
        %get3A_83 = tpu.vector_load %arg10[%get3A_81, %get3A_82] {strides = array<i32>} : memref<25x80xi32, #tpu.memory_space<vmem>>, vector<16xi32>,
        tpu.vector_store_idx %arg13[%get3A_83], %broadcast_in_dim3A_3 {add = true} : memref<10000xf32, #tpu.memory_space<vmem>>[vector<16xi32>], vector<16xf32>,
        %get3A_84 = arith.index_cast %add3A_52 : i32 to index
        %get3A_85 = arith.constant 16 : index
        %get3A_86 = tpu.vector_load %arg10[%get3A_84, %get3A_85] {strides = array<i32>} : memref<25x80xi32, #tpu.memory_space<vmem>>, vector<16xi32>,
        tpu.vector_store_idx %arg13[%get3A_86], %broadcast_in_dim3A_3 {add = true} : memref<10000xf32, #tpu.memory_space<vmem>>[vector<16xi32>], vector<16xf32>,
        %get3A_87 = arith.index_cast %add3A_52 : i32 to index
        %get3A_88 = arith.constant 32 : index
        %get3A_89 = tpu.vector_load %arg10[%get3A_87, %get3A_88] {strides = array<i32>} : memref<25x80xi32, #tpu.memory_space<vmem>>, vector<16xi32>,
        tpu.vector_store_idx %arg13[%get3A_89], %broadcast_in_dim3A_3 {add = true} : memref<10000xf32, #tpu.memory_space<vmem>>[vector<16xi32>], vector<16xf32>,
        %get3A_90 = arith.index_cast %add3A_52 : i32 to index
        %get3A_91 = arith.constant 48 : index
        %get3A_92 = tpu.vector_load %arg10[%get3A_90, %get3A_91] {strides = array<i32>} : memref<25x80xi32, #tpu.memory_space<vmem>>, vector<16xi32>,
        tpu.vector_store_idx %arg13[%get3A_92], %broadcast_in_dim3A_3 {add = true} : memref<10000xf32, #tpu.memory_space<vmem>>[vector<16xi32>], vector<16xf32>,
        %get3A_93 = arith.index_cast %add3A_52 : i32 to index
        %get3A_94 = arith.constant 64 : index
        %get3A_95 = tpu.vector_load %arg10[%get3A_93, %get3A_94] {strides = array<i32>} : memref<25x80xi32, #tpu.memory_space<vmem>>, vector<16xi32>,
        tpu.vector_store_idx %arg13[%get3A_95], %broadcast_in_dim3A_3 {add = true} : memref<10000xf32, #tpu.memory_space<vmem>>[vector<16xi32>], vector<16xf32>,
        %dma_wait3A_96 = arith.constant 0 : i32
        %dma_wait3A_97 = tpu.memref_slice %arg9[%add3A_52, %dma_wait3A_96] : memref<25x80xi32, #tpu.memory_space<vmem>> -> memref<1x80xi32, #tpu.memory_space<vmem>>
        %dma_wait3A_98 = tpu.memref_squeeze %dma_wait3A_97 : memref<1x80xi32, #tpu.memory_space<vmem>> -> memref<80xi32, #tpu.memory_space<vmem>>
        %dma_wait3A_99 = arith.constant 0 : i32
        %dma_wait3A_100 = arith.constant 0 : i32
        %dma_wait3A_101 = tpu.memref_slice %arg2[%dma_wait3A_99, %dma_wait3A_100] : memref<10000x128xf32, #tpu.memory_space<hbm>> -> memref<10000x128xf32, #tpu.memory_space<hbm>>
        tpu.wait_indirect_dma semaphore(%arg15 : memref<!tpu.dma_semaphore, #tpu.memory_space<semaphore_mem>>) src(%dma_wait3A_101 : memref<10000x128xf32, #tpu.memory_space<hbm>>) dst(%arg11 : memref<80x128xf32, #tpu.memory_space<vmem>>)
        "tpu.region"() ({
          %run_scoped3A_102 = tpu.sem_alloc : memref<!tpu.dma_semaphore, #tpu.memory_space<semaphore_mem>>
          %dma_start3A_103 = arith.constant 0 : i32
          %dma_start3A_104 = tpu.memref_slice %arg10[%add3A_52, %dma_start3A_103] : memref<25x80xi32, #tpu.memory_space<vmem>> -> memref<1x80xi32, #tpu.memory_space<vmem>>
          %dma_start3A_105 = tpu.memref_squeeze %dma_start3A_104 : memref<1x80xi32, #tpu.memory_space<vmem>> -> memref<80xi32, #tpu.memory_space<vmem>>
          %dma_start3A_106 = arith.constant 0 : i32
          %dma_start3A_107 = arith.constant 0 : i32
          %dma_start3A_108 = tpu.memref_slice %arg14[%dma_start3A_106, %dma_start3A_107] : memref<10000x128xf32, #tpu.memory_space<vmem_shared>> -> memref<10000x128xf32, #tpu.memory_space<vmem_shared>>
          tpu.enqueue_indirect_dma source(%arg11 : memref<80x128xf32, #tpu.memory_space<vmem>>) target(%dma_start3A_108 : memref<10000x128xf32, #tpu.memory_space<vmem_shared>>) offsets(%dma_start3A_105 : memref<80xi32, #tpu.memory_space<vmem>>) semaphore(%run_scoped3A_102 : memref<!tpu.dma_semaphore, #tpu.memory_space<semaphore_mem>>) {add = true}
          %dma_wait3A_109 = arith.constant 0 : i32
          %dma_wait3A_110 = tpu.memref_slice %arg10[%add3A_52, %dma_wait3A_109] : memref<25x80xi32, #tpu.memory_space<vmem>> -> memref<1x80xi32, #tpu.memory_space<vmem>>
          %dma_wait3A_111 = tpu.memref_squeeze %dma_wait3A_110 : memref<1x80xi32, #tpu.memory_space<vmem>> -> memref<80xi32, #tpu.memory_space<vmem>>
          %dma_wait3A_112 = arith.constant 0 : i32
          %dma_wait3A_113 = arith.constant 0 : i32
          %dma_wait3A_114 = tpu.memref_slice %arg14[%dma_wait3A_112, %dma_wait3A_113] : memref<10000x128xf32, #tpu.memory_space<vmem_shared>> -> memref<10000x128xf32, #tpu.memory_space<vmem_shared>>
          tpu.wait_indirect_dma semaphore(%run_scoped3A_102 : memref<!tpu.dma_semaphore, #tpu.memory_space<semaphore_mem>>) src(%arg11 : memref<80x128xf32, #tpu.memory_space<vmem>>) dst(%dma_wait3A_114 : memref<10000x128xf32, #tpu.memory_space<vmem_shared>>)
          tpu.yield
        }) : () -> ()
      }
      %scan3A_45 = arith.constant 12 : i32
    }
    %scan3A_8 = arith.constant 5 : i32
    %barrier3A_9 = arith.constant 0 : index
    tpu.barrier barrier_id(%barrier3A_9)
    %mul3A_10 = arith.constant 625 : i32
    %mul3A_11 = arith.muli %arg1, %mul3A_10 : i32
    "tpu.region"() ({
      %run_scoped3A_12 = tpu.sem_alloc : memref<!tpu.dma_semaphore, #tpu.memory_space<semaphore_mem>>
      %dma_start3A = arith.constant 0 : i32
      %dma_start3A_13 = arith.constant 0 : i32
      %dma_start3A_14 = tpu.memref_slice %arg7[%arg0, %arg1, %dma_start3A, %dma_start3A_13] : memref<2x16x625x128xf32, #tpu.memory_space<hbm>> -> memref<1x1x625x128xf32, #tpu.memory_space<hbm>>
      %dma_start3A_15 = tpu.memref_squeeze %dma_start3A_14 : memref<1x1x625x128xf32, #tpu.memory_space<hbm>> -> memref<625x128xf32, #tpu.memory_space<hbm>>
      %dma_start3A_16 = arith.constant 0 : i32
      %dma_start3A_17 = tpu.memref_slice %arg14[%mul3A_11, %dma_start3A_16] : memref<10000x128xf32, #tpu.memory_space<vmem_shared>> -> memref<625x128xf32, #tpu.memory_space<vmem_shared>>
      tpu.enqueue_dma source(%dma_start3A_17 : memref<625x128xf32, #tpu.memory_space<vmem_shared>>) target(%dma_start3A_15 : memref<625x128xf32, #tpu.memory_space<hbm>>) target_semaphore(%run_scoped3A_12 : memref<!tpu.dma_semaphore, #tpu.memory_space<semaphore_mem>>)
      %dma_wait3A = arith.constant 0 : i32
      %dma_wait3A_18 = arith.constant 0 : i32
      %dma_wait3A_19 = tpu.memref_slice %arg7[%arg0, %arg1, %dma_wait3A, %dma_wait3A_18] : memref<2x16x625x128xf32, #tpu.memory_space<hbm>> -> memref<1x1x625x128xf32, #tpu.memory_space<hbm>>
      %dma_wait3A_20 = tpu.memref_squeeze %dma_wait3A_19 : memref<1x1x625x128xf32, #tpu.memory_space<hbm>> -> memref<625x128xf32, #tpu.memory_space<hbm>>
      %dma_wait3A_21 = arith.constant 0 : i32
      %dma_wait3A_22 = tpu.memref_slice %arg14[%mul3A_11, %dma_wait3A_21] : memref<10000x128xf32, #tpu.memory_space<vmem_shared>> -> memref<625x128xf32, #tpu.memory_space<vmem_shared>>
      tpu.wait_dma2 semaphore(%run_scoped3A_12 : memref<!tpu.dma_semaphore, #tpu.memory_space<semaphore_mem>>) src(%dma_wait3A_22 : memref<625x128xf32, #tpu.memory_space<vmem_shared>>) dst(%dma_wait3A_20 : memref<625x128xf32, #tpu.memory_space<hbm>>)
      tpu.yield
    }) : () -> ()
    %run_scoped3A = arith.constant 0 : i32
    "tpu.region"() ({
      %run_scoped3A_12 = tpu.sem_alloc : memref<!tpu.dma_semaphore, #tpu.memory_space<semaphore_mem>>
      %dma_start3A = arith.constant 0 : i32
      %dma_start3A_13 = tpu.memref_slice %arg8[%add3A, %run_scoped3A, %dma_start3A] : memref<32x1x10000xf32, #tpu.memory_space<hbm>> -> memref<1x1x10000xf32, #tpu.memory_space<hbm>>
      %dma_start3A_14 = tpu.memref_squeeze %dma_start3A_13 : memref<1x1x10000xf32, #tpu.memory_space<hbm>> -> memref<10000xf32, #tpu.memory_space<hbm>>
      %dma_start3A_15 = arith.constant 0 : i32
      %dma_start3A_16 = tpu.memref_slice %arg8[%add3A, %run_scoped3A, %dma_start3A_15] : memref<32x1x10000xf32, #tpu.memory_space<hbm>> -> memref<1x1x10000xf32, #tpu.memory_space<hbm>>
      %dma_start3A_17 = tpu.memref_squeeze %dma_start3A_16 : memref<1x1x10000xf32, #tpu.memory_space<hbm>> -> memref<10000xf32, #tpu.memory_space<hbm>>
      tpu.enqueue_dma source(%arg13 : memref<10000xf32, #tpu.memory_space<vmem>>) target(%dma_start3A_17 : memref<10000xf32, #tpu.memory_space<hbm>>) target_semaphore(%run_scoped3A_12 : memref<!tpu.dma_semaphore, #tpu.memory_space<semaphore_mem>>)
      %dma_wait3A = arith.constant 0 : i32
      %dma_wait3A_18 = tpu.memref_slice %arg8[%add3A, %run_scoped3A, %dma_wait3A] : memref<32x1x10000xf32, #tpu.memory_space<hbm>> -> memref<1x1x10000xf32, #tpu.memory_space<hbm>>
      %dma_wait3A_19 = tpu.memref_squeeze %dma_wait3A_18 : memref<1x1x10000xf32, #tpu.memory_space<hbm>> -> memref<10000xf32, #tpu.memory_space<hbm>>
      %dma_wait3A_20 = arith.constant 0 : i32
      %dma_wait3A_21 = tpu.memref_slice %arg8[%add3A, %run_scoped3A, %dma_wait3A_20] : memref<32x1x10000xf32, #tpu.memory_space<hbm>> -> memref<1x1x10000xf32, #tpu.memory_space<hbm>>
      %dma_wait3A_22 = tpu.memref_squeeze %dma_wait3A_21 : memref<1x1x10000xf32, #tpu.memory_space<hbm>> -> memref<10000xf32, #tpu.memory_space<hbm>>
      tpu.wait_dma2 semaphore(%run_scoped3A_12 : memref<!tpu.dma_semaphore, #tpu.memory_space<semaphore_mem>>) src(%arg13 : memref<10000xf32, #tpu.memory_space<vmem>>) dst(%dma_wait3A_22 : memref<10000xf32, #tpu.memory_space<hbm>>)
      tpu.yield
    }) : () -> ()
    return
  }
}

#map = affine_map<(d0, d1) -> (0, 0)>
#map1 = affine_map<(d0, d1) -> (0, 0, 0, 0)>
module attributes {stable_mosaic.version = 14 : i64} {
  func.func @_sc_body(%arg0: i32, %arg1: i32, %arg2: memref<10000x128xf32, #tpu.memory_space<hbm>>, %arg3: memref<32x5x25x80xi32, #tpu.memory_space<hbm>>, %arg4: memref<32x5x25x80xi32, #tpu.memory_space<hbm>>, %arg5: memref<625x128xf32, #tpu.memory_space<hbm>>, %arg6: memref<2x16x625x128xf32, #tpu.memory_space<hbm>>, %arg7: memref<25x80xi32, #tpu.memory_space<vmem>>, %arg8: memref<25x80xi32, #tpu.memory_space<vmem>>, %arg9: memref<80x128xf32, #tpu.memory_space<vmem>>, %arg10: memref<80x128xf32, #tpu.memory_space<vmem>>, %arg11: memref<10000x128xf32, #tpu.memory_space<vmem_shared>>, %arg12: memref<!tpu.dma_semaphore, #tpu.memory_space<semaphore_mem>>, %arg13: memref<!tpu.dma_semaphore, #tpu.memory_space<semaphore_mem>>) attributes {dimension_semantics = [#tpu.dimension_semantics<core_parallel>, #tpu.dimension_semantics<subcore_parallel>], iteration_bounds = array<i64: 2, 16>, scalar_prefetch = 0 : i64, scratch_operands = 7 : i64, tpu.core_type = #tpu.core_type<sc_vector_subcore>, window_params = [{transform_indices = #map}, {transform_indices = #map1}, {transform_indices = #map1}, {transform_indices = #map}, {transform_indices = #map1}]} {
    %mul3A = arith.constant 16 : i32
    %mul3A_0 = arith.muli %arg0, %mul3A : i32
    %add3A = arith.addi %mul3A_0, %arg1 : i32
    %mul3A_1 = arith.constant 625 : i32
    %mul3A_2 = arith.muli %arg1, %mul3A_1 : i32
    "tpu.region"() ({
      %run_scoped3A = tpu.sem_alloc : memref<!tpu.dma_semaphore, #tpu.memory_space<semaphore_mem>>
      %dma_start3A = arith.constant 0 : i32
      %dma_start3A_12 = tpu.memref_slice %arg11[%mul3A_2, %dma_start3A] : memref<10000x128xf32, #tpu.memory_space<vmem_shared>> -> memref<625x128xf32, #tpu.memory_space<vmem_shared>>
      tpu.enqueue_dma source(%arg5 : memref<625x128xf32, #tpu.memory_space<hbm>>) target(%dma_start3A_12 : memref<625x128xf32, #tpu.memory_space<vmem_shared>>) target_semaphore(%run_scoped3A : memref<!tpu.dma_semaphore, #tpu.memory_space<semaphore_mem>>)
      %dma_wait3A = arith.constant 0 : i32
      %dma_wait3A_13 = tpu.memref_slice %arg11[%mul3A_2, %dma_wait3A] : memref<10000x128xf32, #tpu.memory_space<vmem_shared>> -> memref<625x128xf32, #tpu.memory_space<vmem_shared>>
      tpu.wait_dma2 semaphore(%run_scoped3A : memref<!tpu.dma_semaphore, #tpu.memory_space<semaphore_mem>>) src(%arg5 : memref<625x128xf32, #tpu.memory_space<hbm>>) dst(%dma_wait3A_13 : memref<625x128xf32, #tpu.memory_space<vmem_shared>>)
      tpu.yield
    }) : () -> ()
    %barrier3A = arith.constant 0 : index
    tpu.barrier barrier_id(%barrier3A)
    %broadcast_in_dim3A = arith.constant 1.000000e+00 : f32
    %broadcast_in_dim3A_3 = vector.broadcast %broadcast_in_dim3A : f32 to vector<16xf32>
    %scan3A = arith.constant 0 : i32
    %scan3A_4 = arith.constant 0 : i32
    %scan3A_5 = arith.constant 5 : i32
    %scan3A_6 = arith.addi %scan3A_4, %scan3A_5 : i32
    %scan3A_7 = arith.constant 1 : i32
    scf.for %scan3A_12 = %scan3A_4 to %scan3A_6 step %scan3A_7  : i32 {
      "tpu.region"() ({
        %run_scoped3A_26 = tpu.sem_alloc : memref<!tpu.dma_semaphore, #tpu.memory_space<semaphore_mem>>
        %dma_start3A_27 = arith.constant 0 : i32
        %dma_start3A_28 = arith.constant 0 : i32
        %dma_start3A_29 = tpu.memref_slice %arg3[%add3A, %scan3A_12, %dma_start3A_27, %dma_start3A_28] : memref<32x5x25x80xi32, #tpu.memory_space<hbm>> -> memref<1x1x25x80xi32, #tpu.memory_space<hbm>>
        %dma_start3A_30 = tpu.memref_squeeze %dma_start3A_29 : memref<1x1x25x80xi32, #tpu.memory_space<hbm>> -> memref<25x80xi32, #tpu.memory_space<hbm>>
        %dma_start3A_31 = arith.constant 0 : i32
        %dma_start3A_32 = arith.constant 0 : i32
        %dma_start3A_33 = tpu.memref_slice %arg3[%add3A, %scan3A_12, %dma_start3A_31, %dma_start3A_32] : memref<32x5x25x80xi32, #tpu.memory_space<hbm>> -> memref<1x1x25x80xi32, #tpu.memory_space<hbm>>
        %dma_start3A_34 = tpu.memref_squeeze %dma_start3A_33 : memref<1x1x25x80xi32, #tpu.memory_space<hbm>> -> memref<25x80xi32, #tpu.memory_space<hbm>>
        tpu.enqueue_dma source(%dma_start3A_34 : memref<25x80xi32, #tpu.memory_space<hbm>>) target(%arg7 : memref<25x80xi32, #tpu.memory_space<vmem>>) target_semaphore(%run_scoped3A_26 : memref<!tpu.dma_semaphore, #tpu.memory_space<semaphore_mem>>)
        %dma_wait3A = arith.constant 0 : i32
        %dma_wait3A_35 = arith.constant 0 : i32
        %dma_wait3A_36 = tpu.memref_slice %arg3[%add3A, %scan3A_12, %dma_wait3A, %dma_wait3A_35] : memref<32x5x25x80xi32, #tpu.memory_space<hbm>> -> memref<1x1x25x80xi32, #tpu.memory_space<hbm>>
        %dma_wait3A_37 = tpu.memref_squeeze %dma_wait3A_36 : memref<1x1x25x80xi32, #tpu.memory_space<hbm>> -> memref<25x80xi32, #tpu.memory_space<hbm>>
        %dma_wait3A_38 = arith.constant 0 : i32
        %dma_wait3A_39 = arith.constant 0 : i32
        %dma_wait3A_40 = tpu.memref_slice %arg3[%add3A, %scan3A_12, %dma_wait3A_38, %dma_wait3A_39] : memref<32x5x25x80xi32, #tpu.memory_space<hbm>> -> memref<1x1x25x80xi32, #tpu.memory_space<hbm>>
        %dma_wait3A_41 = tpu.memref_squeeze %dma_wait3A_40 : memref<1x1x25x80xi32, #tpu.memory_space<hbm>> -> memref<25x80xi32, #tpu.memory_space<hbm>>
        tpu.wait_dma2 semaphore(%run_scoped3A_26 : memref<!tpu.dma_semaphore, #tpu.memory_space<semaphore_mem>>) src(%dma_wait3A_41 : memref<25x80xi32, #tpu.memory_space<hbm>>) dst(%arg7 : memref<25x80xi32, #tpu.memory_space<vmem>>)
        tpu.yield
      }) : () -> ()
      "tpu.region"() ({
        %run_scoped3A_26 = tpu.sem_alloc : memref<!tpu.dma_semaphore, #tpu.memory_space<semaphore_mem>>
        %dma_start3A_27 = arith.constant 0 : i32
        %dma_start3A_28 = arith.constant 0 : i32
        %dma_start3A_29 = tpu.memref_slice %arg4[%add3A, %scan3A_12, %dma_start3A_27, %dma_start3A_28] : memref<32x5x25x80xi32, #tpu.memory_space<hbm>> -> memref<1x1x25x80xi32, #tpu.memory_space<hbm>>
        %dma_start3A_30 = tpu.memref_squeeze %dma_start3A_29 : memref<1x1x25x80xi32, #tpu.memory_space<hbm>> -> memref<25x80xi32, #tpu.memory_space<hbm>>
        %dma_start3A_31 = arith.constant 0 : i32
        %dma_start3A_32 = arith.constant 0 : i32
        %dma_start3A_33 = tpu.memref_slice %arg4[%add3A, %scan3A_12, %dma_start3A_31, %dma_start3A_32] : memref<32x5x25x80xi32, #tpu.memory_space<hbm>> -> memref<1x1x25x80xi32, #tpu.memory_space<hbm>>
        %dma_start3A_34 = tpu.memref_squeeze %dma_start3A_33 : memref<1x1x25x80xi32, #tpu.memory_space<hbm>> -> memref<25x80xi32, #tpu.memory_space<hbm>>
        tpu.enqueue_dma source(%dma_start3A_34 : memref<25x80xi32, #tpu.memory_space<hbm>>) target(%arg8 : memref<25x80xi32, #tpu.memory_space<vmem>>) target_semaphore(%run_scoped3A_26 : memref<!tpu.dma_semaphore, #tpu.memory_space<semaphore_mem>>)
        %dma_wait3A = arith.constant 0 : i32
        %dma_wait3A_35 = arith.constant 0 : i32
        %dma_wait3A_36 = tpu.memref_slice %arg4[%add3A, %scan3A_12, %dma_wait3A, %dma_wait3A_35] : memref<32x5x25x80xi32, #tpu.memory_space<hbm>> -> memref<1x1x25x80xi32, #tpu.memory_space<hbm>>
        %dma_wait3A_37 = tpu.memref_squeeze %dma_wait3A_36 : memref<1x1x25x80xi32, #tpu.memory_space<hbm>> -> memref<25x80xi32, #tpu.memory_space<hbm>>
        %dma_wait3A_38 = arith.constant 0 : i32
        %dma_wait3A_39 = arith.constant 0 : i32
        %dma_wait3A_40 = tpu.memref_slice %arg4[%add3A, %scan3A_12, %dma_wait3A_38, %dma_wait3A_39] : memref<32x5x25x80xi32, #tpu.memory_space<hbm>> -> memref<1x1x25x80xi32, #tpu.memory_space<hbm>>
        %dma_wait3A_41 = tpu.memref_squeeze %dma_wait3A_40 : memref<1x1x25x80xi32, #tpu.memory_space<hbm>> -> memref<25x80xi32, #tpu.memory_space<hbm>>
        tpu.wait_dma2 semaphore(%run_scoped3A_26 : memref<!tpu.dma_semaphore, #tpu.memory_space<semaphore_mem>>) src(%dma_wait3A_41 : memref<25x80xi32, #tpu.memory_space<hbm>>) dst(%arg8 : memref<25x80xi32, #tpu.memory_space<vmem>>)
        tpu.yield
      }) : () -> ()
      %run_scoped3A = arith.constant 0 : i32
      "tpu.region"() ({
        %run_scoped3A_26 = tpu.sem_alloc : memref<!tpu.dma_semaphore, #tpu.memory_space<semaphore_mem>>
        %dma_start3A_27 = arith.constant 0 : i32
        %dma_start3A_28 = tpu.memref_slice %arg7[%run_scoped3A, %dma_start3A_27] : memref<25x80xi32, #tpu.memory_space<vmem>> -> memref<1x80xi32, #tpu.memory_space<vmem>>
        %dma_start3A_29 = tpu.memref_squeeze %dma_start3A_28 : memref<1x80xi32, #tpu.memory_space<vmem>> -> memref<80xi32, #tpu.memory_space<vmem>>
        %dma_start3A_30 = arith.constant 0 : i32
        %dma_start3A_31 = arith.constant 0 : i32
        %dma_start3A_32 = tpu.memref_slice %arg2[%dma_start3A_30, %dma_start3A_31] : memref<10000x128xf32, #tpu.memory_space<hbm>> -> memref<10000x128xf32, #tpu.memory_space<hbm>>
        tpu.enqueue_indirect_dma source(%dma_start3A_32 : memref<10000x128xf32, #tpu.memory_space<hbm>>) target(%arg9 : memref<80x128xf32, #tpu.memory_space<vmem>>) offsets(%dma_start3A_29 : memref<80xi32, #tpu.memory_space<vmem>>) semaphore(%run_scoped3A_26 : memref<!tpu.dma_semaphore, #tpu.memory_space<semaphore_mem>>)
        %dma_wait3A = arith.constant 0 : i32
        %dma_wait3A_33 = tpu.memref_slice %arg7[%run_scoped3A, %dma_wait3A] : memref<25x80xi32, #tpu.memory_space<vmem>> -> memref<1x80xi32, #tpu.memory_space<vmem>>
        %dma_wait3A_34 = tpu.memref_squeeze %dma_wait3A_33 : memref<1x80xi32, #tpu.memory_space<vmem>> -> memref<80xi32, #tpu.memory_space<vmem>>
        %dma_wait3A_35 = arith.constant 0 : i32
        %dma_wait3A_36 = arith.constant 0 : i32
        %dma_wait3A_37 = tpu.memref_slice %arg2[%dma_wait3A_35, %dma_wait3A_36] : memref<10000x128xf32, #tpu.memory_space<hbm>> -> memref<10000x128xf32, #tpu.memory_space<hbm>>
        tpu.wait_indirect_dma semaphore(%run_scoped3A_26 : memref<!tpu.dma_semaphore, #tpu.memory_space<semaphore_mem>>) src(%dma_wait3A_37 : memref<10000x128xf32, #tpu.memory_space<hbm>>) dst(%arg9 : memref<80x128xf32, #tpu.memory_space<vmem>>)
        tpu.yield
      }) : () -> ()
      %run_scoped3A_13 = arith.constant 0 : i32
      "tpu.region"() ({
        %run_scoped3A_26 = tpu.sem_alloc : memref<!tpu.dma_semaphore, #tpu.memory_space<semaphore_mem>>
        %dma_start3A_27 = arith.constant 0 : i32
        %dma_start3A_28 = tpu.memref_slice %arg8[%run_scoped3A_13, %dma_start3A_27] : memref<25x80xi32, #tpu.memory_space<vmem>> -> memref<1x80xi32, #tpu.memory_space<vmem>>
        %dma_start3A_29 = tpu.memref_squeeze %dma_start3A_28 : memref<1x80xi32, #tpu.memory_space<vmem>> -> memref<80xi32, #tpu.memory_space<vmem>>
        %dma_start3A_30 = arith.constant 0 : i32
        %dma_start3A_31 = arith.constant 0 : i32
        %dma_start3A_32 = tpu.memref_slice %arg11[%dma_start3A_30, %dma_start3A_31] : memref<10000x128xf32, #tpu.memory_space<vmem_shared>> -> memref<10000x128xf32, #tpu.memory_space<vmem_shared>>
        tpu.enqueue_indirect_dma source(%arg9 : memref<80x128xf32, #tpu.memory_space<vmem>>) target(%dma_start3A_32 : memref<10000x128xf32, #tpu.memory_space<vmem_shared>>) offsets(%dma_start3A_29 : memref<80xi32, #tpu.memory_space<vmem>>) semaphore(%run_scoped3A_26 : memref<!tpu.dma_semaphore, #tpu.memory_space<semaphore_mem>>) {add = true}
        %dma_wait3A = arith.constant 0 : i32
        %dma_wait3A_33 = tpu.memref_slice %arg8[%run_scoped3A_13, %dma_wait3A] : memref<25x80xi32, #tpu.memory_space<vmem>> -> memref<1x80xi32, #tpu.memory_space<vmem>>
        %dma_wait3A_34 = tpu.memref_squeeze %dma_wait3A_33 : memref<1x80xi32, #tpu.memory_space<vmem>> -> memref<80xi32, #tpu.memory_space<vmem>>
        %dma_wait3A_35 = arith.constant 0 : i32
        %dma_wait3A_36 = arith.constant 0 : i32
        %dma_wait3A_37 = tpu.memref_slice %arg11[%dma_wait3A_35, %dma_wait3A_36] : memref<10000x128xf32, #tpu.memory_space<vmem_shared>> -> memref<10000x128xf32, #tpu.memory_space<vmem_shared>>
        tpu.wait_indirect_dma semaphore(%run_scoped3A_26 : memref<!tpu.dma_semaphore, #tpu.memory_space<semaphore_mem>>) src(%arg9 : memref<80x128xf32, #tpu.memory_space<vmem>>) dst(%dma_wait3A_37 : memref<10000x128xf32, #tpu.memory_space<vmem_shared>>)
        tpu.yield
      }) : () -> ()
      %dma_start3A = arith.constant 1 : i32
      %dma_start3A_14 = arith.constant 0 : i32
      %dma_start3A_15 = tpu.memref_slice %arg7[%dma_start3A, %dma_start3A_14] : memref<25x80xi32, #tpu.memory_space<vmem>> -> memref<1x80xi32, #tpu.memory_space<vmem>>
      %dma_start3A_16 = tpu.memref_squeeze %dma_start3A_15 : memref<1x80xi32, #tpu.memory_space<vmem>> -> memref<80xi32, #tpu.memory_space<vmem>>
      %dma_start3A_17 = arith.constant 0 : i32
      %dma_start3A_18 = arith.constant 0 : i32
      %dma_start3A_19 = tpu.memref_slice %arg2[%dma_start3A_17, %dma_start3A_18] : memref<10000x128xf32, #tpu.memory_space<hbm>> -> memref<10000x128xf32, #tpu.memory_space<hbm>>
      tpu.enqueue_indirect_dma source(%dma_start3A_19 : memref<10000x128xf32, #tpu.memory_space<hbm>>) target(%arg10 : memref<80x128xf32, #tpu.memory_space<vmem>>) offsets(%dma_start3A_16 : memref<80xi32, #tpu.memory_space<vmem>>) semaphore(%arg13 : memref<!tpu.dma_semaphore, #tpu.memory_space<semaphore_mem>>)
      %scan3A_20 = arith.constant 0 : i32
      %scan3A_21 = arith.constant 0 : i32
      %scan3A_22 = arith.constant 12 : i32
      %scan3A_23 = arith.addi %scan3A_21, %scan3A_22 : i32
      %scan3A_24 = arith.constant 1 : i32
      scf.for %scan3A_26 = %scan3A_21 to %scan3A_23 step %scan3A_24  : i32 {
        %mul3A_27 = arith.constant 2 : i32
        %mul3A_28 = arith.muli %mul3A_27, %scan3A_26 : i32
        %add3A_29 = arith.constant 1 : i32
        %add3A_30 = arith.addi %mul3A_28, %add3A_29 : i32
        %add3A_31 = arith.constant 1 : i32
        %add3A_32 = arith.addi %add3A_30, %add3A_31 : i32
        %dma_start3A_33 = arith.constant 0 : i32
        %dma_start3A_34 = tpu.memref_slice %arg7[%add3A_32, %dma_start3A_33] : memref<25x80xi32, #tpu.memory_space<vmem>> -> memref<1x80xi32, #tpu.memory_space<vmem>>
        %dma_start3A_35 = tpu.memref_squeeze %dma_start3A_34 : memref<1x80xi32, #tpu.memory_space<vmem>> -> memref<80xi32, #tpu.memory_space<vmem>>
        %dma_start3A_36 = arith.constant 0 : i32
        %dma_start3A_37 = arith.constant 0 : i32
        %dma_start3A_38 = tpu.memref_slice %arg2[%dma_start3A_36, %dma_start3A_37] : memref<10000x128xf32, #tpu.memory_space<hbm>> -> memref<10000x128xf32, #tpu.memory_space<hbm>>
        tpu.enqueue_indirect_dma source(%dma_start3A_38 : memref<10000x128xf32, #tpu.memory_space<hbm>>) target(%arg9 : memref<80x128xf32, #tpu.memory_space<vmem>>) offsets(%dma_start3A_35 : memref<80xi32, #tpu.memory_space<vmem>>) semaphore(%arg12 : memref<!tpu.dma_semaphore, #tpu.memory_space<semaphore_mem>>)
        %dma_wait3A = arith.constant 0 : i32
        %dma_wait3A_39 = tpu.memref_slice %arg7[%add3A_30, %dma_wait3A] : memref<25x80xi32, #tpu.memory_space<vmem>> -> memref<1x80xi32, #tpu.memory_space<vmem>>
        %dma_wait3A_40 = tpu.memref_squeeze %dma_wait3A_39 : memref<1x80xi32, #tpu.memory_space<vmem>> -> memref<80xi32, #tpu.memory_space<vmem>>
        %dma_wait3A_41 = arith.constant 0 : i32
        %dma_wait3A_42 = arith.constant 0 : i32
        %dma_wait3A_43 = tpu.memref_slice %arg2[%dma_wait3A_41, %dma_wait3A_42] : memref<10000x128xf32, #tpu.memory_space<hbm>> -> memref<10000x128xf32, #tpu.memory_space<hbm>>
        tpu.wait_indirect_dma semaphore(%arg13 : memref<!tpu.dma_semaphore, #tpu.memory_space<semaphore_mem>>) src(%dma_wait3A_43 : memref<10000x128xf32, #tpu.memory_space<hbm>>) dst(%arg10 : memref<80x128xf32, #tpu.memory_space<vmem>>)
        "tpu.region"() ({
          %run_scoped3A_52 = tpu.sem_alloc : memref<!tpu.dma_semaphore, #tpu.memory_space<semaphore_mem>>
          %dma_start3A_53 = arith.constant 0 : i32
          %dma_start3A_54 = tpu.memref_slice %arg8[%add3A_30, %dma_start3A_53] : memref<25x80xi32, #tpu.memory_space<vmem>> -> memref<1x80xi32, #tpu.memory_space<vmem>>
          %dma_start3A_55 = tpu.memref_squeeze %dma_start3A_54 : memref<1x80xi32, #tpu.memory_space<vmem>> -> memref<80xi32, #tpu.memory_space<vmem>>
          %dma_start3A_56 = arith.constant 0 : i32
          %dma_start3A_57 = arith.constant 0 : i32
          %dma_start3A_58 = tpu.memref_slice %arg11[%dma_start3A_56, %dma_start3A_57] : memref<10000x128xf32, #tpu.memory_space<vmem_shared>> -> memref<10000x128xf32, #tpu.memory_space<vmem_shared>>
          tpu.enqueue_indirect_dma source(%arg10 : memref<80x128xf32, #tpu.memory_space<vmem>>) target(%dma_start3A_58 : memref<10000x128xf32, #tpu.memory_space<vmem_shared>>) offsets(%dma_start3A_55 : memref<80xi32, #tpu.memory_space<vmem>>) semaphore(%run_scoped3A_52 : memref<!tpu.dma_semaphore, #tpu.memory_space<semaphore_mem>>) {add = true}
          %dma_wait3A_59 = arith.constant 0 : i32
          %dma_wait3A_60 = tpu.memref_slice %arg8[%add3A_30, %dma_wait3A_59] : memref<25x80xi32, #tpu.memory_space<vmem>> -> memref<1x80xi32, #tpu.memory_space<vmem>>
          %dma_wait3A_61 = tpu.memref_squeeze %dma_wait3A_60 : memref<1x80xi32, #tpu.memory_space<vmem>> -> memref<80xi32, #tpu.memory_space<vmem>>
          %dma_wait3A_62 = arith.constant 0 : i32
          %dma_wait3A_63 = arith.constant 0 : i32
          %dma_wait3A_64 = tpu.memref_slice %arg11[%dma_wait3A_62, %dma_wait3A_63] : memref<10000x128xf32, #tpu.memory_space<vmem_shared>> -> memref<10000x128xf32, #tpu.memory_space<vmem_shared>>
          tpu.wait_indirect_dma semaphore(%run_scoped3A_52 : memref<!tpu.dma_semaphore, #tpu.memory_space<semaphore_mem>>) src(%arg10 : memref<80x128xf32, #tpu.memory_space<vmem>>) dst(%dma_wait3A_64 : memref<10000x128xf32, #tpu.memory_space<vmem_shared>>)
          tpu.yield
        }) : () -> ()
        %lt3A = arith.constant 11 : i32
        %lt3A_44 = arith.cmpi slt, %scan3A_26, %lt3A : i32
        %convert_element_type3A = arith.extui %lt3A_44 : i1 to i32
        %cond3A = arith.constant 0 : i32
        %cond3A_45 = arith.cmpi ne, %convert_element_type3A, %cond3A : i32
        scf.if %cond3A_45 {
          %add3A_52 = arith.constant 1 : i32
          %add3A_53 = arith.addi %add3A_32, %add3A_52 : i32
          %dma_start3A_54 = arith.constant 0 : i32
          %dma_start3A_55 = tpu.memref_slice %arg7[%add3A_53, %dma_start3A_54] : memref<25x80xi32, #tpu.memory_space<vmem>> -> memref<1x80xi32, #tpu.memory_space<vmem>>
          %dma_start3A_56 = tpu.memref_squeeze %dma_start3A_55 : memref<1x80xi32, #tpu.memory_space<vmem>> -> memref<80xi32, #tpu.memory_space<vmem>>
          %dma_start3A_57 = arith.constant 0 : i32
          %dma_start3A_58 = arith.constant 0 : i32
          %dma_start3A_59 = tpu.memref_slice %arg2[%dma_start3A_57, %dma_start3A_58] : memref<10000x128xf32, #tpu.memory_space<hbm>> -> memref<10000x128xf32, #tpu.memory_space<hbm>>
          tpu.enqueue_indirect_dma source(%dma_start3A_59 : memref<10000x128xf32, #tpu.memory_space<hbm>>) target(%arg10 : memref<80x128xf32, #tpu.memory_space<vmem>>) offsets(%dma_start3A_56 : memref<80xi32, #tpu.memory_space<vmem>>) semaphore(%arg13 : memref<!tpu.dma_semaphore, #tpu.memory_space<semaphore_mem>>)
        } else {
        }
        %dma_wait3A_46 = arith.constant 0 : i32
        %dma_wait3A_47 = tpu.memref_slice %arg7[%add3A_32, %dma_wait3A_46] : memref<25x80xi32, #tpu.memory_space<vmem>> -> memref<1x80xi32, #tpu.memory_space<vmem>>
        %dma_wait3A_48 = tpu.memref_squeeze %dma_wait3A_47 : memref<1x80xi32, #tpu.memory_space<vmem>> -> memref<80xi32, #tpu.memory_space<vmem>>
        %dma_wait3A_49 = arith.constant 0 : i32
        %dma_wait3A_50 = arith.constant 0 : i32
        %dma_wait3A_51 = tpu.memref_slice %arg2[%dma_wait3A_49, %dma_wait3A_50] : memref<10000x128xf32, #tpu.memory_space<hbm>> -> memref<10000x128xf32, #tpu.memory_space<hbm>>
        tpu.wait_indirect_dma semaphore(%arg12 : memref<!tpu.dma_semaphore, #tpu.memory_space<semaphore_mem>>) src(%dma_wait3A_51 : memref<10000x128xf32, #tpu.memory_space<hbm>>) dst(%arg9 : memref<80x128xf32, #tpu.memory_space<vmem>>)
        "tpu.region"() ({
          %run_scoped3A_52 = tpu.sem_alloc : memref<!tpu.dma_semaphore, #tpu.memory_space<semaphore_mem>>
          %dma_start3A_53 = arith.constant 0 : i32
          %dma_start3A_54 = tpu.memref_slice %arg8[%add3A_32, %dma_start3A_53] : memref<25x80xi32, #tpu.memory_space<vmem>> -> memref<1x80xi32, #tpu.memory_space<vmem>>
          %dma_start3A_55 = tpu.memref_squeeze %dma_start3A_54 : memref<1x80xi32, #tpu.memory_space<vmem>> -> memref<80xi32, #tpu.memory_space<vmem>>
          %dma_start3A_56 = arith.constant 0 : i32
          %dma_start3A_57 = arith.constant 0 : i32
          %dma_start3A_58 = tpu.memref_slice %arg11[%dma_start3A_56, %dma_start3A_57] : memref<10000x128xf32, #tpu.memory_space<vmem_shared>> -> memref<10000x128xf32, #tpu.memory_space<vmem_shared>>
          tpu.enqueue_indirect_dma source(%arg9 : memref<80x128xf32, #tpu.memory_space<vmem>>) target(%dma_start3A_58 : memref<10000x128xf32, #tpu.memory_space<vmem_shared>>) offsets(%dma_start3A_55 : memref<80xi32, #tpu.memory_space<vmem>>) semaphore(%run_scoped3A_52 : memref<!tpu.dma_semaphore, #tpu.memory_space<semaphore_mem>>) {add = true}
          %dma_wait3A_59 = arith.constant 0 : i32
          %dma_wait3A_60 = tpu.memref_slice %arg8[%add3A_32, %dma_wait3A_59] : memref<25x80xi32, #tpu.memory_space<vmem>> -> memref<1x80xi32, #tpu.memory_space<vmem>>
          %dma_wait3A_61 = tpu.memref_squeeze %dma_wait3A_60 : memref<1x80xi32, #tpu.memory_space<vmem>> -> memref<80xi32, #tpu.memory_space<vmem>>
          %dma_wait3A_62 = arith.constant 0 : i32
          %dma_wait3A_63 = arith.constant 0 : i32
          %dma_wait3A_64 = tpu.memref_slice %arg11[%dma_wait3A_62, %dma_wait3A_63] : memref<10000x128xf32, #tpu.memory_space<vmem_shared>> -> memref<10000x128xf32, #tpu.memory_space<vmem_shared>>
          tpu.wait_indirect_dma semaphore(%run_scoped3A_52 : memref<!tpu.dma_semaphore, #tpu.memory_space<semaphore_mem>>) src(%arg9 : memref<80x128xf32, #tpu.memory_space<vmem>>) dst(%dma_wait3A_64 : memref<10000x128xf32, #tpu.memory_space<vmem_shared>>)
          tpu.yield
        }) : () -> ()
      }
      %scan3A_25 = arith.constant 12 : i32
    }
    %scan3A_8 = arith.constant 5 : i32
    %barrier3A_9 = arith.constant 0 : index
    tpu.barrier barrier_id(%barrier3A_9)
    %mul3A_10 = arith.constant 625 : i32
    %mul3A_11 = arith.muli %arg1, %mul3A_10 : i32
    "tpu.region"() ({
      %run_scoped3A = tpu.sem_alloc : memref<!tpu.dma_semaphore, #tpu.memory_space<semaphore_mem>>
      %dma_start3A = arith.constant 0 : i32
      %dma_start3A_12 = arith.constant 0 : i32
      %dma_start3A_13 = tpu.memref_slice %arg6[%arg0, %arg1, %dma_start3A, %dma_start3A_12] : memref<2x16x625x128xf32, #tpu.memory_space<hbm>> -> memref<1x1x625x128xf32, #tpu.memory_space<hbm>>
      %dma_start3A_14 = tpu.memref_squeeze %dma_start3A_13 : memref<1x1x625x128xf32, #tpu.memory_space<hbm>> -> memref<625x128xf32, #tpu.memory_space<hbm>>
      %dma_start3A_15 = arith.constant 0 : i32
      %dma_start3A_16 = tpu.memref_slice %arg11[%mul3A_11, %dma_start3A_15] : memref<10000x128xf32, #tpu.memory_space<vmem_shared>> -> memref<625x128xf32, #tpu.memory_space<vmem_shared>>
      tpu.enqueue_dma source(%dma_start3A_16 : memref<625x128xf32, #tpu.memory_space<vmem_shared>>) target(%dma_start3A_14 : memref<625x128xf32, #tpu.memory_space<hbm>>) target_semaphore(%run_scoped3A : memref<!tpu.dma_semaphore, #tpu.memory_space<semaphore_mem>>)
      %dma_wait3A = arith.constant 0 : i32
      %dma_wait3A_17 = arith.constant 0 : i32
      %dma_wait3A_18 = tpu.memref_slice %arg6[%arg0, %arg1, %dma_wait3A, %dma_wait3A_17] : memref<2x16x625x128xf32, #tpu.memory_space<hbm>> -> memref<1x1x625x128xf32, #tpu.memory_space<hbm>>
      %dma_wait3A_19 = tpu.memref_squeeze %dma_wait3A_18 : memref<1x1x625x128xf32, #tpu.memory_space<hbm>> -> memref<625x128xf32, #tpu.memory_space<hbm>>
      %dma_wait3A_20 = arith.constant 0 : i32
      %dma_wait3A_21 = tpu.memref_slice %arg11[%mul3A_11, %dma_wait3A_20] : memref<10000x128xf32, #tpu.memory_space<vmem_shared>> -> memref<625x128xf32, #tpu.memory_space<vmem_shared>>
      tpu.wait_dma2 semaphore(%run_scoped3A : memref<!tpu.dma_semaphore, #tpu.memory_space<semaphore_mem>>) src(%dma_wait3A_21 : memref<625x128xf32, #tpu.memory_space<vmem_shared>>) dst(%dma_wait3A_19 : memref<625x128xf32, #tpu.memory_space<hbm>>)
      tpu.yield
    }) : () -> ()
    return
  }
}

module attributes {stable_mosaic.version = 14 : i64} {
  func.func @_tc_body(%arg0: i32, %arg1: memref<2x400x128xf32, #tpu.memory_space<vmem>>, %arg2: memref<400x32xf32, #tpu.memory_space<vmem>>, %arg3: memref<400x128xf32, #tpu.memory_space<vmem>>, %arg4: memref<128x128xf32, #tpu.memory_space<vmem>>, %arg5: memref<128x128xf32, #tpu.memory_space<vmem>>, %arg6: memref<1x128xf32, #tpu.memory_space<vmem>>, %arg7: memref<400x128xf32, #tpu.memory_space<vmem>>) attributes {dimension_semantics = [#tpu.dimension_semantics<arbitrary>], iteration_bounds = array<i64: 25>, scalar_prefetch = 0 : i64, scratch_operands = 0 : i64, tpu.core_type = #tpu.core_type<tc>, window_params = [{transform_indices = @transform_0, window_bounds = array<i64: 2, 400, 128>}, {transform_indices = @transform_1, window_bounds = array<i64: 400, 32>}, {transform_indices = @transform_2, window_bounds = array<i64: 400, 128>}, {pipeline_mode = #tpu.pipeline_mode<synchronous>, transform_indices = @transform_3, window_bounds = array<i64: 128, 128>}, {pipeline_mode = #tpu.pipeline_mode<synchronous>, transform_indices = @transform_4, window_bounds = array<i64: 128, 128>}, {pipeline_mode = #tpu.pipeline_mode<synchronous>, transform_indices = @transform_5, window_bounds = array<i64: 1, 128>}, {transform_indices = @transform_6, window_bounds = array<i64: 400, 128>}]} {
    %get3A = arith.constant 0 : index
    %get3A_0 = arith.constant 0 : index
    %get3A_1 = vector.load %arg2[%get3A, %get3A_0] : memref<400x32xf32, #tpu.memory_space<vmem>>, vector<400x32xf32>
    %reduce_sum3A = arith.constant dense<0.000000e+00> : vector<400xf32>
    %reduce_sum3A_2 = vector.multi_reduction <add>, %get3A_1, %reduce_sum3A [1] : vector<400x32xf32> to vector<400xf32>
    %broadcast_in_dim3A = vector.shape_cast %reduce_sum3A_2 : vector<400xf32> to vector<400x1xf32>
    %max3A = arith.constant 1.000000e+00 : f32
    %max3A_3 = vector.broadcast %max3A : f32 to vector<400x1xf32>
    %max3A_4 = arith.maximumf %broadcast_in_dim3A, %max3A_3 : vector<400x1xf32>
    %div3A = arith.constant 1.000000e+00 : f32
    %div3A_5 = vector.broadcast %div3A : f32 to vector<400x1xf32>
    %div3A_6 = arith.divf %div3A_5, %max3A_4 : vector<400x1xf32>
    %get3A_7 = arith.constant 0 : index
    %get3A_8 = arith.constant 0 : index
    %get3A_9 = arith.constant 0 : index
    %get3A_10 = vector.load %arg1[%get3A_7, %get3A_8, %get3A_9] : memref<2x400x128xf32, #tpu.memory_space<vmem>>, vector<1x400x128xf32>
    %get3A_11 = vector.shape_cast %get3A_10 : vector<1x400x128xf32> to vector<400x128xf32>
    %get3A_12 = arith.constant 1 : index
    %get3A_13 = arith.constant 0 : index
    %get3A_14 = arith.constant 0 : index
    %get3A_15 = vector.load %arg1[%get3A_12, %get3A_13, %get3A_14] : memref<2x400x128xf32, #tpu.memory_space<vmem>>, vector<1x400x128xf32>
    %get3A_16 = vector.shape_cast %get3A_15 : vector<1x400x128xf32> to vector<400x128xf32>
    %add3A = arith.addf %get3A_11, %get3A_16 : vector<400x128xf32>
    %mul3A = vector.broadcast %div3A_6 : vector<400x1xf32> to vector<400x128xf32>
    %mul3A_17 = arith.mulf %add3A, %mul3A : vector<400x128xf32>
    %get3A_18 = arith.constant 0 : index
    %get3A_19 = arith.constant 0 : index
    %get3A_20 = vector.load %arg4[%get3A_18, %get3A_19] : memref<128x128xf32, #tpu.memory_space<vmem>>, vector<128x128xf32>
    %dot_general3A = arith.constant dense<0.000000e+00> : vector<400x128xf32>
    %dot_general3A_21 = tpu.matmul %mul3A_17, %get3A_20, %dot_general3A {dimension_numbers = #tpu.dot_dimension_numbers<[1], [0], [0], [1], [0, 0, 1, 1], [], []>, transpose_lhs_hint = false} : vector<400x128xf32>, vector<128x128xf32>, vector<400x128xf32> -> vector<400x128xf32>
    %get3A_22 = arith.constant 0 : index
    %get3A_23 = arith.constant 0 : index
    %get3A_24 = vector.load %arg3[%get3A_22, %get3A_23] : memref<400x128xf32, #tpu.memory_space<vmem>>, vector<400x128xf32>
    %get3A_25 = arith.constant 0 : index
    %get3A_26 = arith.constant 0 : index
    %get3A_27 = vector.load %arg5[%get3A_25, %get3A_26] : memref<128x128xf32, #tpu.memory_space<vmem>>, vector<128x128xf32>
    %dot_general3A_28 = arith.constant dense<0.000000e+00> : vector<400x128xf32>
    %dot_general3A_29 = tpu.matmul %get3A_24, %get3A_27, %dot_general3A_28 {dimension_numbers = #tpu.dot_dimension_numbers<[1], [0], [0], [1], [0, 0, 1, 1], [], []>, transpose_lhs_hint = false} : vector<400x128xf32>, vector<128x128xf32>, vector<400x128xf32> -> vector<400x128xf32>
    %add3A_30 = arith.addf %dot_general3A_21, %dot_general3A_29 : vector<400x128xf32>
    %get3A_31 = arith.constant 0 : index
    %get3A_32 = arith.constant 0 : index
    %get3A_33 = vector.load %arg6[%get3A_31, %get3A_32] : memref<1x128xf32, #tpu.memory_space<vmem>>, vector<1x128xf32>
    %add3A_34 = vector.broadcast %get3A_33 : vector<1x128xf32> to vector<400x128xf32>
    %add3A_35 = arith.addf %add3A_30, %add3A_34 : vector<400x128xf32>
    %max3A_36 = arith.constant 0.000000e+00 : f32
    %max3A_37 = vector.broadcast %max3A_36 : f32 to vector<400x128xf32>
    %max3A_38 = arith.maximumf %add3A_35, %max3A_37 : vector<400x128xf32>
    %swap3A = arith.constant 0 : index
    %swap3A_39 = arith.constant 0 : index
    %swap3A_40 = vector.load %arg7[%swap3A, %swap3A_39] : memref<400x128xf32, #tpu.memory_space<vmem>>, vector<400x128xf32>
    tpu.vector_store %arg7[%swap3A, %swap3A_39], %max3A_38 {strides = array<i32>} : memref<400x128xf32, #tpu.memory_space<vmem>>, vector<400x128xf32>,
    return
  }
  func.func @transform_0(%arg0: i32) -> (i32, i32, i32) {
    %c0_i32 = arith.constant 0 : i32
    %c0_i32_0 = arith.constant 0 : i32
    %c0_i32_1 = arith.constant 0 : i32
    return %c0_i32, %arg0, %c0_i32_0 : i32, i32, i32
  }
  func.func @transform_1(%arg0: i32) -> (i32, i32) {
    %c0_i32 = arith.constant 0 : i32
    %c0_i32_0 = arith.constant 0 : i32
    return %arg0, %c0_i32 : i32, i32
  }
  func.func @transform_2(%arg0: i32) -> (i32, i32) {
    %c0_i32 = arith.constant 0 : i32
    %c0_i32_0 = arith.constant 0 : i32
    return %arg0, %c0_i32 : i32, i32
  }
  func.func @transform_3(%arg0: i32) -> (i32, i32) {
    %c0_i32 = arith.constant 0 : i32
    %c0_i32_0 = arith.constant 0 : i32
    %c0_i32_1 = arith.constant 0 : i32
    return %c0_i32, %c0_i32_0 : i32, i32
  }
  func.func @transform_4(%arg0: i32) -> (i32, i32) {
    %c0_i32 = arith.constant 0 : i32
    %c0_i32_0 = arith.constant 0 : i32
    %c0_i32_1 = arith.constant 0 : i32
    return %c0_i32, %c0_i32_0 : i32, i32
  }
  func.func @transform_5(%arg0: i32) -> (i32, i32) {
    %c0_i32 = arith.constant 0 : i32
    %c0_i32_0 = arith.constant 0 : i32
    %c0_i32_1 = arith.constant 0 : i32
    return %c0_i32, %c0_i32_0 : i32, i32
  }
  func.func @transform_6(%arg0: i32) -> (i32, i32) {
    %c0_i32 = arith.constant 0 : i32
    %c0_i32_0 = arith.constant 0 : i32
    return %arg0, %c0_i32 : i32, i32
  }
}

module attributes {stable_mosaic.version = 14 : i64} {
  func.func @_tc_body(%arg0: i32, %arg1: memref<2x400x128xf32, #tpu.memory_space<vmem>>, %arg2: memref<400x32xf32, #tpu.memory_space<vmem>>, %arg3: memref<400x128xf32, #tpu.memory_space<vmem>>, %arg4: memref<128x128xf32, #tpu.memory_space<vmem>>, %arg5: memref<128x128xf32, #tpu.memory_space<vmem>>, %arg6: memref<1x128xf32, #tpu.memory_space<vmem>>, %arg7: memref<400x128xf32, #tpu.memory_space<vmem>>) attributes {dimension_semantics = [#tpu.dimension_semantics<arbitrary>], iteration_bounds = array<i64: 25>, scalar_prefetch = 0 : i64, scratch_operands = 0 : i64, tpu.core_type = #tpu.core_type<tc>, window_params = [{transform_indices = @transform_0, window_bounds = array<i64: 2, 400, 128>}, {transform_indices = @transform_1, window_bounds = array<i64: 400, 32>}, {transform_indices = @transform_2, window_bounds = array<i64: 400, 128>}, {pipeline_mode = #tpu.pipeline_mode<synchronous>, transform_indices = @transform_3, window_bounds = array<i64: 128, 128>}, {pipeline_mode = #tpu.pipeline_mode<synchronous>, transform_indices = @transform_4, window_bounds = array<i64: 128, 128>}, {pipeline_mode = #tpu.pipeline_mode<synchronous>, transform_indices = @transform_5, window_bounds = array<i64: 1, 128>}, {transform_indices = @transform_6, window_bounds = array<i64: 400, 128>}]} {
    %get3A = arith.constant 0 : index
    %get3A_0 = arith.constant 0 : index
    %get3A_1 = vector.load %arg2[%get3A, %get3A_0] : memref<400x32xf32, #tpu.memory_space<vmem>>, vector<400x32xf32>
    %reduce_sum3A = arith.constant dense<0.000000e+00> : vector<400xf32>
    %reduce_sum3A_2 = vector.multi_reduction <add>, %get3A_1, %reduce_sum3A [1] : vector<400x32xf32> to vector<400xf32>
    %broadcast_in_dim3A = vector.shape_cast %reduce_sum3A_2 : vector<400xf32> to vector<400x1xf32>
    %max3A = arith.constant 1.000000e+00 : f32
    %max3A_3 = vector.broadcast %max3A : f32 to vector<400x1xf32>
    %max3A_4 = arith.maximumf %broadcast_in_dim3A, %max3A_3 : vector<400x1xf32>
    %div3A = arith.constant 1.000000e+00 : f32
    %div3A_5 = vector.broadcast %div3A : f32 to vector<400x1xf32>
    %div3A_6 = arith.divf %div3A_5, %max3A_4 : vector<400x1xf32>
    %get3A_7 = arith.constant 0 : index
    %get3A_8 = arith.constant 0 : index
    %get3A_9 = arith.constant 0 : index
    %get3A_10 = vector.load %arg1[%get3A_7, %get3A_8, %get3A_9] : memref<2x400x128xf32, #tpu.memory_space<vmem>>, vector<1x400x128xf32>
    %get3A_11 = vector.shape_cast %get3A_10 : vector<1x400x128xf32> to vector<400x128xf32>
    %get3A_12 = arith.constant 1 : index
    %get3A_13 = arith.constant 0 : index
    %get3A_14 = arith.constant 0 : index
    %get3A_15 = vector.load %arg1[%get3A_12, %get3A_13, %get3A_14] : memref<2x400x128xf32, #tpu.memory_space<vmem>>, vector<1x400x128xf32>
    %get3A_16 = vector.shape_cast %get3A_15 : vector<1x400x128xf32> to vector<400x128xf32>
    %add3A = arith.addf %get3A_11, %get3A_16 : vector<400x128xf32>
    %mul3A = vector.broadcast %div3A_6 : vector<400x1xf32> to vector<400x128xf32>
    %mul3A_17 = arith.mulf %add3A, %mul3A : vector<400x128xf32>
    %get3A_18 = arith.constant 0 : index
    %get3A_19 = arith.constant 0 : index
    %get3A_20 = vector.load %arg4[%get3A_18, %get3A_19] : memref<128x128xf32, #tpu.memory_space<vmem>>, vector<128x128xf32>
    %dot_general3A = arith.constant dense<0.000000e+00> : vector<400x128xf32>
    %dot_general3A_21 = tpu.matmul %mul3A_17, %get3A_20, %dot_general3A {dimension_numbers = #tpu.dot_dimension_numbers<[1], [0], [0], [1], [0, 0, 1, 1], [], []>, transpose_lhs_hint = false} : vector<400x128xf32>, vector<128x128xf32>, vector<400x128xf32> -> vector<400x128xf32>
    %get3A_22 = arith.constant 0 : index
    %get3A_23 = arith.constant 0 : index
    %get3A_24 = vector.load %arg3[%get3A_22, %get3A_23] : memref<400x128xf32, #tpu.memory_space<vmem>>, vector<400x128xf32>
    %get3A_25 = arith.constant 0 : index
    %get3A_26 = arith.constant 0 : index
    %get3A_27 = vector.load %arg5[%get3A_25, %get3A_26] : memref<128x128xf32, #tpu.memory_space<vmem>>, vector<128x128xf32>
    %dot_general3A_28 = arith.constant dense<0.000000e+00> : vector<400x128xf32>
    %dot_general3A_29 = tpu.matmul %get3A_24, %get3A_27, %dot_general3A_28 {dimension_numbers = #tpu.dot_dimension_numbers<[1], [0], [0], [1], [0, 0, 1, 1], [], []>, transpose_lhs_hint = false} : vector<400x128xf32>, vector<128x128xf32>, vector<400x128xf32> -> vector<400x128xf32>
    %add3A_30 = arith.addf %dot_general3A_21, %dot_general3A_29 : vector<400x128xf32>
    %get3A_31 = arith.constant 0 : index
    %get3A_32 = arith.constant 0 : index
    %get3A_33 = vector.load %arg6[%get3A_31, %get3A_32] : memref<1x128xf32, #tpu.memory_space<vmem>>, vector<1x128xf32>
    %add3A_34 = vector.broadcast %get3A_33 : vector<1x128xf32> to vector<400x128xf32>
    %add3A_35 = arith.addf %add3A_30, %add3A_34 : vector<400x128xf32>
    %swap3A = arith.constant 0 : index
    %swap3A_36 = arith.constant 0 : index
    %swap3A_37 = vector.load %arg7[%swap3A, %swap3A_36] : memref<400x128xf32, #tpu.memory_space<vmem>>, vector<400x128xf32>
    tpu.vector_store %arg7[%swap3A, %swap3A_36], %add3A_35 {strides = array<i32>} : memref<400x128xf32, #tpu.memory_space<vmem>>, vector<400x128xf32>,
    return
  }
  func.func @transform_0(%arg0: i32) -> (i32, i32, i32) {
    %c0_i32 = arith.constant 0 : i32
    %c0_i32_0 = arith.constant 0 : i32
    %c0_i32_1 = arith.constant 0 : i32
    return %c0_i32, %arg0, %c0_i32_0 : i32, i32, i32
  }
  func.func @transform_1(%arg0: i32) -> (i32, i32) {
    %c0_i32 = arith.constant 0 : i32
    %c0_i32_0 = arith.constant 0 : i32
    return %arg0, %c0_i32 : i32, i32
  }
  func.func @transform_2(%arg0: i32) -> (i32, i32) {
    %c0_i32 = arith.constant 0 : i32
    %c0_i32_0 = arith.constant 0 : i32
    return %arg0, %c0_i32 : i32, i32
  }
  func.func @transform_3(%arg0: i32) -> (i32, i32) {
    %c0_i32 = arith.constant 0 : i32
    %c0_i32_0 = arith.constant 0 : i32
    %c0_i32_1 = arith.constant 0 : i32
    return %c0_i32, %c0_i32_0 : i32, i32
  }
  func.func @transform_4(%arg0: i32) -> (i32, i32) {
    %c0_i32 = arith.constant 0 : i32
    %c0_i32_0 = arith.constant 0 : i32
    %c0_i32_1 = arith.constant 0 : i32
    return %c0_i32, %c0_i32_0 : i32, i32
  }
  func.func @transform_5(%arg0: i32) -> (i32, i32) {
    %c0_i32 = arith.constant 0 : i32
    %c0_i32_0 = arith.constant 0 : i32
    %c0_i32_1 = arith.constant 0 : i32
    return %c0_i32, %c0_i32_0 : i32, i32
  }
  func.func @transform_6(%arg0: i32) -> (i32, i32) {
    %c0_i32 = arith.constant 0 : i32
    %c0_i32_0 = arith.constant 0 : i32
    return %arg0, %c0_i32 : i32, i32
  }
}

</mosaic_0001>

<sc_bundles>
// kernel: kernel.6.cloned.1.call-start
scs
__scs_entry_jumppad:
0x0: {  	(pc) =	sbr.rel $0x88, $3  }
0x1: {  	(tag) =	ssettag $0x0;
	lr =	simm.s32 $0x1  }
0x2: {  	[smem:$0x3F99] =	sst lr;
	_ =	strace $0xD0000000  }
0x3: {  	_ = 	snop  }
0x4: {  	_ = 	snop  }
0x5: {  	_ = 	snop  }
0x6: {  	_ = 	snop  }
0x7: {  	_ = 	snop  }
__scs_overlays_trampoline_lowered:
0x8: {  	[smem:$0x3FA8] =	sst s0  }
0x9: {  	[smem:$0x3FA9] =	sst s1  }
0xa: {  	[smem:$0x3FAA] =	sst s2  }
0xb: {  	[smem:$0x3FAB] =	sst s3  }
0xc: {  	[smem:$0x3FAC] =	sst s4  }
0xd: {  	[smem:$0x3FAD] =	sst s5  }
0xe: {  	[smem:$0x3FAE] =	sst s6  }
0xf: {  	[smem:$0x3FAF] =	sst s7  }
0x10: {  	[smem:$0x3FB0] =	sst s8  }
0x11: {  	[smem:$0x3FB1] =	sst s9;
	s0 =	simm.s32 @!p0 $0x0  }
0x12: {  	s1 =	sld [smem:$0x3F97];
	s0 =	simm.s32 @p0 $0x1  }
0x13: {  	[smem:$0x3FB2] =	sst s0;
	s0 =	simm.s32 @!p1 $0x0  }
0x14: {  	s2 =	sld [smem:$0x3F96];
	s0 =	simm.s32 @p1 $0x1  }
0x15: {  	[smem:$0x3FB3] =	sst s0;
	s0 =	simm.s32 @!p2 $0x0  }
0x16: {  	s3 =	sld [smem:$0x3FDB];
	s0 =	simm.s32 @p2 $0x1  }
0x17: {  	s4 =	simm.s32 $0x1BF5;
	[smem:$0x3FB5] =	sst s0  }
0x18: {  	s0 =	sld [smem:$0x3F98];
	_ =	swait.ge [sflag:s4], $0x0  }
0x19: {  	s7 =	sld [smem:$0x3F99]  }
0x1a: {  	s8 =	sadd.s32 $0xFFFFE003, lr  }
0x1b: {  	s9 =	sadd.s32 $0xFFFFFEF7, lr;
	s5 =	simm.s32 $0xFFFFFFFF;
	p2 =	slt.u32 s8, $0xFFFFF086  }
0x1c: {  	p1 =	slt.u32 s9, $0xF7A;
	s5 =	simm.s32 @!p2 $0x0  }
0x1d: {  	s5 =	simm.s32 @p1 $0x1;
	p0 =	seq.s32 s7, s2  }
0x1e: {  	s7 =	smul.u32 @!p0 $0xF7A, s2;
	p2 =	seq.s32 @!p0 s5, $0x0  }
0x1f: {  	s9 =	smul.u32 $0xF7A, s1;
	s8 =	simm.s32 @!p0 $0x1BF5;
	p2 =	por !p2, p0  }
0x20: {  	[sflag:s8] =	ssyncset.s32 @!p0 $0xFFFFF086;
	s6 =	sadd.s32 @!p0 s3, s7;
	s7 =	simm.s32 @!p0 $0x108  }
0x21: {  	s3 =	sadd.s32 s3, s9;
	s6 =	sadd.s32 @!p0 $0x88, s6;
	s7 =	simm.s32 @p2 $0x1082  }
0x22: {  	[simem:s7], [sflag:s8] =	dma.local @!p0 [hbm:s6], $0xF7A  }
0x23: {  	s9 =	sor.u32 $0xD0000000, s2;
	s6 =	simm.s32 $0x108;
	_ =	swait.ge @!p0 [sflag:s8], $0x0  }
0x24: {  	s3 =	sadd.s32 $0x88, s3;
	s6 =	simm.s32 @!p1 $0x1082;
	[sflag:s4] =	ssyncset.s32 $0xFFFFF086  }
0x25: {  	[simem:s6], [sflag:s4] =	dma.local [hbm:s3], $0xF7A  }
0x26: {  	[smem:$0x3F99] =	sst s1;
	(tag) =	ssettag s2;
	_ =	strace s9  }
0x27: {  	s1 =	sld [smem:$0x3FA9]  }
0x28: {  	s2 =	sld [smem:$0x3FAA]  }
0x29: {  	s4 =	sld [smem:$0x3FAC]  }
0x2a: {  	p0 =	seq.s32 s5, $0x0;
	s5 =	sld [smem:$0x3FAD]  }
0x2b: {  	s6 =	sld [smem:$0x3FAE]  }
0x2c: {  	s7 =	sld [smem:$0x3FAF]  }
0x2d: {  	s3 =	simm.s32 $0x108;
	s8 =	sld [smem:$0x3FB0]  }
0x2e: {  	s3 =	simm.s32 @!p0 $0x1082;
	s9 =	sld [smem:$0x3FB1]  }
0x2f: {  	lr =	sadd.s32 s0, s3;
	s0 =	sld [smem:$0x3FA8]  }
0x30: {  	s3 =	sld [smem:$0x3FAB]  }
0x31: {  	[smem:$0x3FB4] =	sst s10  }
0x32: {  	s10 =	sld [smem:$0x3FB2];
	_ =	sdelay $0x3  }
0x33: {  	p0 =	seq.s32 s10, $0x1;
	s10 =	sld [smem:$0x3FB4];
	_ =	sdelay $0x3  }
0x34: {  	[smem:$0x3FB4] =	sst s10  }
0x35: {  	s10 =	sld [smem:$0x3FB3];
	_ =	sdelay $0x3  }
0x36: {  	p1 =	seq.s32 s10, $0x1;
	s10 =	sld [smem:$0x3FB4];
	_ =	sdelay $0x3  }
0x37: {  	[smem:$0x3FB4] =	sst s10  }
0x38: {  	s10 =	sld [smem:$0x3FB5]  }
0x39: {  	_ = 	snop;
	(pc) =	sbr.ind lr, $3  }
0x3a: {  	_ = 	snop  }
0x3b: {  	_ = 	snop  }
0x3c: {  	p2 =	seq.s32 s10, $0x1;
	s10 =	sld [smem:$0x3FB4]  }
0x3d: {  	_ =	shalt  }
0x3e: {  	_ =	shalt  }
0x3f: {  	_ =	shalt  }
0x40: {  	_ =	shalt  }
0x41: {  	_ =	shalt  }
0x42: {  	_ =	shalt  }
0x43: {  	_ =	shalt  }
0x44: {  	_ =	shalt  }
0x45: {  	_ =	shalt  }
0x46: {  	_ =	shalt  }
0x47: {  	_ =	shalt  }
0x48: {  	_ =	shalt  }
0x49: {  	_ =	shalt  }
0x4a: {  	_ =	shalt  }
0x4b: {  	_ =	shalt  }
0x4c: {  	_ =	shalt  }
0x4d: {  	_ =	shalt  }
0x4e: {  	_ =	shalt  }
0x4f: {  	_ =	shalt  }
0x50: {  	_ =	shalt  }
0x51: {  	_ =	shalt  }
0x52: {  	_ =	shalt  }
0x53: {  	_ =	shalt  }
0x54: {  	_ =	shalt  }
0x55: {  	_ =	shalt  }
0x56: {  	_ =	shalt  }
0x57: {  	_ =	shalt  }
0x58: {  	_ =	shalt  }
0x59: {  	_ =	shalt  }
0x5a: {  	_ =	shalt  }
0x5b: {  	_ =	shalt  }
0x5c: {  	_ =	shalt  }
0x5d: {  	_ =	shalt  }
0x5e: {  	_ =	shalt  }
0x5f: {  	_ =	shalt  }
0x60: {  	_ =	shalt  }
0x61: {  	_ =	shalt  }
0x62: {  	_ =	shalt  }
0x63: {  	_ =	shalt  }
0x64: {  	_ =	shalt  }
0x65: {  	_ =	shalt  }
0x66: {  	_ =	shalt  }
0x67: {  	_ =	shalt  }
0x68: {  	_ =	shalt  }
0x69: {  	_ =	shalt  }
0x6a: {  	_ =	shalt  }
0x6b: {  	_ =	shalt  }
0x6c: {  	_ =	shalt  }
0x6d: {  	_ =	shalt  }
0x6e: {  	_ =	shalt  }
0x6f: {  	_ =	shalt  }
0x70: {  	_ =	shalt  }
0x71: {  	_ =	shalt  }
0x72: {  	_ =	shalt  }
0x73: {  	_ =	shalt  }
0x74: {  	_ =	shalt  }
0x75: {  	_ =	shalt  }
0x76: {  	_ =	shalt  }
0x77: {  	_ =	shalt  }
0x78: {  	_ =	shalt  }
0x79: {  	_ =	shalt  }
0x7a: {  	_ =	shalt  }
0x7b: {  	_ =	shalt  }
0x7c: {  	_ =	shalt  }
0x7d: {  	_ =	shalt  }
0x7e: {  	_ =	shalt  }
0x7f: {  	_ =	shalt  }
0x80: {  	_ =	shalt  }
0x81: {  	_ =	shalt  }
0x82: {  	_ =	shalt  }
0x83: {  	_ =	shalt  }
0x84: {  	_ =	shalt  }
0x85: {  	_ =	shalt  }
0x86: {  	_ =	shalt  }
0x87: {  	_ =	shalt  }
.Lfunc_end0:
.L_simem_size_0:
called_computation_lowered:
.L_overlay_start_0:
0x88: {  	s2 =	sld [smem:$0x3FD9]  }
0x89: {  	s3 =	sld [smem:$0x3FFE];
	_ =	sdelay $0x1  }
0x8a: {  	s1 =	srdreg.scid  }
0x8b: {  	s0 =	sand.u32 $0x1, s1  }
0x8c: {  	s17 =	sshll.u32 s0, $0xA;
	s2 =	sadd.s32 s3, s2  }
0x8d: {  	s2 =	sadd.s32 s2, s17  }
0x8e: {  	[smem:$0x3FC0] =	sst s2  }
0x8f: {  	_ = 	snop  }
0x90: {  	s2 =	sld [smem:$0x3FC9]  }
0x91: {  	s18 =	sld [smem:$0x3FD0];
	(tm) =	ssettm $0x1  }
0x92: {  	s4 =	sld [smem:$0x3FFB];
	_ =	sdelay $0x3  }
0x93: {  	_ =	strace s4  }
0x94: {  	s4 =	sld [smem:$0x3FFC];
	_ =	sdelay $0x3  }
0x95: {  	_ =	strace s4  }
0x96: {  	s4 =	sld [smem:$0x3FFD];
	_ =	sdelay $0x3  }
0x97: {  	_ =	strace s4  }
0x98: {  	_ =	strace $0x8FFFFFFF  }
0x99: {  	s19 =	sld [smem:$0x3FDB];
	_ =	sdelay $0x1  }
0x9a: {  	s5 =	simm.s32 $_scs_section_size  }
0x9b: {  	s6 =	simm.s32 $_size__tile_overlayer_lowered;
	s7 =	simm.s32 $_tile_overlayer_lowered  }
0x9c: {  	s22 =	simm.s32 $0x1BFF;
	s21 =	sshll.u32 s7, $0x1;
	s4 =	sadd.s32 s5, s19  }
0x9d: {  	s8 =	simm.s32 $0x0;
	s20 =	sshll.u32 s6, $0x1;
	s6 =	sadd.s32 s21, s4  }
0x9e: {  	[timem:s8], [sflag:s22] =	dma.local [hbm:s6], s20  }
0x9f: {  	_ =	swait.ge [sflag:s22], s20  }
0xa0: {  	s5 =	ssub.s32 $0x0, s20;
	[sflag:s22] =	ssyncset.done $0x0  }
0xa1: {  	[sflag:s22] =	ssyncadd.s32 s5;
	_ =	sdelay $0x1  }
0xa2: {  	s23 =	simm.s32 $0x1B8B  }
0xa3: {  	_ =	swait.ge [sflag:s23], $0x1  }
0xa4: {  	[sflag:s23] =	ssyncset.done $0x0  }
0xa5: {  	s25 =	simm.s32 $0x1B8E;
	s24 =	sld [smem:$0x3FFE];
	[sflag:s23] =	ssyncadd.s32 $0xFFFFFFFF  }
0xa6: {  	s26 =	simm.s32 $execute0_lowered;
	[smem:$0x3FD2] =	sst s25  }
0xa7: {  	s6 =	sshll.u32 s26, $0x1;
	_ =	strace $0x80000046;
	[dreg:$0x1] =	wrdreg $0xFFFFFFFF  }
0xa8: {  	s28 =	simm.s32 $_size_execute0_lowered;
	s4 =	sadd.s32 s4, s6;
	[dreg:$0x0] =	wrdreg $0x0  }
0xa9: {  	s6 =	sshll.u32 s28, $0x1;
	[dreg:$0x2] =	wrdreg s4  }
0xaa: {  	[dreg:$0x3] =	wrdreg s6  }
0xab: {  	[dreg:$0x4] =	wrdreg $0xC0  }
0xac: {  	_ =	task [dreg:s8], $0x5FFFF  }
0xad: {  	[dreg:$0x1] =	wrdreg $0xFFFFFFFF  }
0xae: {  	[dreg:$0x0] =	wrdreg $0x60  }
0xaf: {  	[dreg:$0x2] =	wrdreg s2  }
0xb0: {  	[dreg:$0x3] =	wrdreg s24  }
0xb1: {  	[dreg:$0x4] =	wrdreg s18  }
0xb2: {  	[dreg:$0x5] =	wrdreg $0x97800  }
0xb3: {  	[dreg:$0x6] =	wrdreg $0x9  }
0xb4: {  	_ =	task.clear_ibuf [dreg:s8], $0x7FFFF;
	_ =	strace $0x90000046  }
0xb5: {  	s29 =	simm.s32 $0x9;
	_ =	strace $0x80000048  }
0xb6: {  	_ =	swait.ge [sflag:s29], $0x1  }
0xb7: {  	[sflag:s29] =	ssyncadd.s32 $0xFFFFFFFF  }
0xb8: {  	_ =	strace $0x90000048  }
0xb9: {  	_ =	sfence  }
0xba: {  	s30 =	sld [smem:$0x0];
	_ =	sdelay $0x2  }
0xbb: {  	s31 =	sshll.u32 s1, $0xD;
	s1 =	sshrl.u32 s1, $0x2  }
0xbc: {  	s3 =	sand.u32 $0x4000, s31;
	s1 =	sadd.s32 s1, s30  }
0xbd: {  	s0 =	sor.u32 s3, s0;
	s1 =	sshll.u32 s1, $0x11  }
0xbe: {  	s0 =	sor.u32 s1, s0  }
0xbf: {  	s0 =	sadd.s32 $0x8F2B, s0  }
0xc0: {  	[sflag:s0] =	ssyncadd.remote.s32 $0x1  }
0xc1: {  	_ =	sfence.sel $0xFFFF  }
0xc2: {  	[dreg:$0x0] =	wrdreg $0xFFFFFFFF;
	(pc) =	sbr.abs _section_cstart, $3  }
0xc3: {  	[dreg:$0x1] =	wrdreg $0xFFFFFFFF  }
0xc4: {  	_ =	task.clear_ibuf [dreg:s8], $0x2FFFF;
	_ =	strace $0x9FFFFFFF  }
0xc5: {  	(tm) =	ssettm $0x7FFFFFFF  }
tec
execute0_lowered:
.L_overlay_start_1:
0x0: {  	(tag) =	ssettag $0x1  }
0x1: {  	s1 =	rddreg [dreg:$0x0]  }
0x2: {  	s9 =	rddreg [dreg:$0x1]  }
0x3: {  	s12 =	rddreg [dreg:$0x2]  }
0x4: {  	s2 =	rddreg [dreg:$0x3];
	s3 =	srdreg.scid;
	s4 =	simm.s32 $0x0  }
0x5: {  	s17 =	simm.s32 $0x1000;
	s18 =	simm.s32 $0x50;
	s19 =	simm.s32 $0x2000  }
0x6: {  	s20 =	simm.s32 $0x80;
	s21 =	simm.s32 $0x4800;
	s22 =	simm.s32 $0x2  }
0x7: {  	s23 =	simm.s32 $0x1;
	s24 =	simm.s32 $0xC00;
	s25 =	simm.s32 $0x1B80  }
0x8: {  	s26 =	simm.s32 $0x1C00;
	s10 =	sand.u32 $0x1, s3;
	s3 =	stileid.u32  }
0x9: {  	s28 =	simm.s32 $0x0;
	[smem:$0x7FF] =	sst s4;
	s7 =	smul.u32 $0x13C000, s10  }
0xa: {  	s5 =	sadd.s32 $0x15E00, s9;
	s6 =	sadd.s32 $0x1E00, s9;
	s8 =	smul.u32 $0x13C00, s3  }
0xb: {  	_ =	strace $0x80000047;
	s13 =	ssub.s32 $0x2, s10;
	s10 =	sshll.u32 s10, $0x4  }
0xc: {  	s14 =	smul.u32 $0x4E200, s3;
	s15 =	sshll.u32 s3, $0x6;
	s31 =	sshrl.u32 s13, $0x1  }
0xd: {  	s10 =	sor.u32 s3, s10;
	s11 =	sadd.s32 s8, s7;
	s7 =	sadd.s32 $0x2A400, s9  }
0xe: {  	s8 =	sadd.s32 $0x29E00, s9;
	s14 =	sshrl.u32 s14, $0x2;
	s16 =	smul.u32 $0x4F0, s10  }
0xf: {  	s13 =	ssub.s32 s13, s31;
	s10 =	smul.u32 $0x5000, s10;
	s11 =	sshrl.u32 s11, $0x3  }
0x10: {  	s14 =	sadd.s32 s14, s2;
	s13 =	smax.u32 s13, $0x1;
	s11 =	sadd.s32 s11, s9  }
0x11: {  	s9 =	sor.u32 $0x1C03, s15;
	s12 =	sadd.s32 s12, s16;
	s14 =	sshrl.u32 s14, $0x3  }
0x12: {  	v0 =	vimm.f32 $1.000000000e+00;
	s15 =	simm.s32 $0x3;
	s16 =	simm.s32 $0x7000;
	s11 =	sadd.s32 $0x2CC00, s11  }
.LBB2_1:
0x13: {  	[spmem:s14], [sflag:s9] =	dma.local [hbm:s7], $0x2710  }
0x14: {  	_ =	swait.ge [sflag:s15], $0x2710  }
0x15: {  	[sflag:s15] =	ssyncset.done $0x0  }
0x16: {  	[sflag:s15] =	ssyncadd.s32 $0xFFFFD8F0  }
0x17: {  	[tilespmem:s16], [sflag:$0x3] =	stream.linear.gather [hbm4b:s8+s4], $0x2780, $0x38;
	[tilespmem:$0x1D000] =	vst v63  }
0x18: {  	_ =	swait.ge [sflag:s15], $0x2780  }
0x19: {  	[sflag:s15] =	ssyncset.done $0x0  }
0x1a: {  	[sflag:s15] =	ssyncadd.s32 $0xFFFFD880  }
0x1b: {  	s29 =	simm.s32 $0x0;
	[bflag:$0x0] =	sbarrier.arrive $0xFFFF  }
.LBB2_2:
0x1c: {  	s30 =	sshll.u32 s29, $0xC  }
0x1d: {  	s30 =	sadd.s32 s10, s30  }
0x1e: {  	s31 =	sshrl.u32 s30, $0x3  }
0x1f: {  	s30 =	simm.s32 $0x0;
	s0 =	sadd.s32 s5, s31  }
0x20: {  	[tilespmem:s30], [sflag:$0x3] =	stream.linear.gather [hbm4b:s0+s30], $0xC80, $0x38;
	[tilespmem:$0x1D000] =	vst v63  }
0x21: {  	_ =	swait.ge [sflag:s15], $0xC80  }
0x22: {  	[sflag:s15] =	ssyncset.done $0x0  }
0x23: {  	s31 =	sadd.s32 s6, s31;
	[sflag:s15] =	ssyncadd.s32 $0xFFFFF380  }
0x24: {  	[tilespmem:s17], [sflag:$0x3] =	stream.linear.gather [hbm4b:s31+s30], $0xC80, $0x38;
	[tilespmem:$0x1D000] =	vst v63  }
0x25: {  	_ =	swait.ge [sflag:s15], $0xC80  }
0x26: {  	[sflag:s15] =	ssyncset.done $0x0  }
0x27: {  	[sflag:s15] =	ssyncadd.s32 $0xFFFFF380  }
0x28: {  	[tilespmem:s19], [sflag:$0x3] =	stream.indirect.gather [hbm4b:s1+s18], $0x80, s30, s18, $0xb8;
	[tilespmem:$0x1D000] =	vst v63  }
0x29: {  	_ =	swait.ge [sflag:s15], $0x2800  }
0x2a: {  	[sflag:s15] =	ssyncset.done $0x0  }
0x2b: {  	[sflag:s15] =	ssyncadd.s32 $0xFFFFD800  }
0x2c: {  	v1 =	vld [tilespmem:$0x1000];
	_ =	sdelay $0x7  }
0x2d: {  	[tilespmem:v1+s16+$0x0] =	vst.idx.add.f32.msk $0xffff, v0  }
0x2e: {  	v1 =	vld [tilespmem:$0x1010];
	_ =	sdelay $0x7  }
0x2f: {  	[tilespmem:v1+s16+$0x0] =	vst.idx.add.f32.msk $0xffff, v0  }
0x30: {  	v1 =	vld [tilespmem:$0x1020];
	_ =	sdelay $0x7  }
0x31: {  	[tilespmem:v1+s16+$0x0] =	vst.idx.add.f32.msk $0xffff, v0  }
0x32: {  	v1 =	vld [tilespmem:$0x1030];
	_ =	sdelay $0x7  }
0x33: {  	[tilespmem:v1+s16+$0x0] =	vst.idx.add.f32.msk $0xffff, v0  }
0x34: {  	v1 =	vld [tilespmem:$0x1040];
	_ =	sdelay $0x7  }
0x35: {  	[tilespmem:v1+s16+$0x0] =	vst.idx.add.f32.msk $0xffff, v0  }
0x36: {  	[spmem:s2] =	stream.indirect.scatter.add.f32 [tilespmem:s19], [sflag:$0x3], $0x80, s17, s18, $0xb8;
	[tilespmem:$0x1D000] =	vst v63  }
0x37: {  	_ =	swait.ge [sflag:s15], $0x2800  }
0x38: {  	[sflag:s15] =	ssyncset.done $0x0  }
0x39: {  	[sflag:s15] =	ssyncadd.s32 $0xFFFFD800  }
0x3a: {  	[tilespmem:s21], [sflag:$0x2] =	stream.indirect.gather [hbm4b:s1+s18], $0x80, s20, s18, $0xb8;
	[tilespmem:$0x1D000] =	vst v63  }
.LBB2_3:
0x3b: {  	s0 =	sshra.s32 s30, $0x2  }
0x3c: {  	s31 =	sadd.s32 $0x100, s0  }
0x3d: {  	[tilespmem:s19], [sflag:$0x1] =	stream.indirect.gather [hbm4b:s1+s18], $0x80, s31, s18, $0xb8;
	[tilespmem:$0x1D000] =	vst v63  }
0x3e: {  	v1 =	vld [tilespmem:s0+$0x1080];
	_ =	sdelay $0x7  }
0x3f: {  	[tilespmem:v1+s16+$0x0] =	vst.idx.add.f32.msk $0xffff, v0  }
0x40: {  	v1 =	vld [tilespmem:s0+$0x1090];
	_ =	sdelay $0x7  }
0x41: {  	[tilespmem:v1+s16+$0x0] =	vst.idx.add.f32.msk $0xffff, v0  }
0x42: {  	v1 =	vld [tilespmem:s0+$0x10A0];
	_ =	sdelay $0x7  }
0x43: {  	[tilespmem:v1+s16+$0x0] =	vst.idx.add.f32.msk $0xffff, v0  }
0x44: {  	v1 =	vld [tilespmem:s0+$0x10B0];
	_ =	sdelay $0x7  }
0x45: {  	[tilespmem:v1+s16+$0x0] =	vst.idx.add.f32.msk $0xffff, v0  }
0x46: {  	v1 =	vld [tilespmem:s0+$0x10C0];
	_ =	sdelay $0x7  }
0x47: {  	[tilespmem:v1+s16+$0x0] =	vst.idx.add.f32.msk $0xffff, v0  }
0x48: {  	_ =	swait.ge [sflag:s22], $0x2800  }
0x49: {  	[sflag:s22] =	ssyncset.done $0x0  }
0x4a: {  	s31 =	sadd.s32 $0x1080, s0;
	[sflag:s22] =	ssyncadd.s32 $0xFFFFD800  }
0x4b: {  	[spmem:s2] =	stream.indirect.scatter.add.f32 [tilespmem:s21], [sflag:$0x3], $0x80, s31, s18, $0xb8;
	[tilespmem:$0x1D000] =	vst v63  }
0x4c: {  	_ =	swait.ge [sflag:s15], $0x2800  }
0x4d: {  	[sflag:s15] =	ssyncset.done $0x0  }
0x4e: {  	s31 =	sadd.s32 $0x180, s0;
	[sflag:s15] =	ssyncadd.s32 $0xFFFFD800  }
0x4f: {  	[tilespmem:s21], [sflag:$0x2] =	stream.indirect.gather [hbm4b:s1+s18], $0x80, s31, s18, $0xb8;
	[tilespmem:$0x1D000] =	vst v63  }
0x50: {  	v1 =	vld [tilespmem:s0+$0x1100];
	_ =	sdelay $0x7  }
0x51: {  	[tilespmem:v1+s16+$0x0] =	vst.idx.add.f32.msk $0xffff, v0  }
0x52: {  	v1 =	vld [tilespmem:s0+$0x1110];
	_ =	sdelay $0x7  }
0x53: {  	[tilespmem:v1+s16+$0x0] =	vst.idx.add.f32.msk $0xffff, v0  }
0x54: {  	v1 =	vld [tilespmem:s0+$0x1120];
	_ =	sdelay $0x7  }
0x55: {  	[tilespmem:v1+s16+$0x0] =	vst.idx.add.f32.msk $0xffff, v0  }
0x56: {  	v1 =	vld [tilespmem:s0+$0x1130];
	_ =	sdelay $0x7  }
0x57: {  	[tilespmem:v1+s16+$0x0] =	vst.idx.add.f32.msk $0xffff, v0  }
0x58: {  	v1 =	vld [tilespmem:s0+$0x1140];
	_ =	sdelay $0x7  }
0x59: {  	[tilespmem:v1+s16+$0x0] =	vst.idx.add.f32.msk $0xffff, v0  }
0x5a: {  	_ =	swait.ge [sflag:s23], $0x2800  }
0x5b: {  	p0 =	sne.s32 s30, $0x2800;
	[sflag:s23] =	ssyncset.done $0x0  }
.Ltmp0:
0x5c: {  	s0 =	sadd.s32 $0x1100, s0;
	[sflag:s23] =	ssyncadd.s32 $0xFFFFD800;
	(pc) =	sbr.rel @p0 .LBB2_3-.Ltmp0, $4  }
0x5d: {  	[spmem:s2] =	stream.indirect.scatter.add.f32 [tilespmem:s19], [sflag:$0x3], $0x80, s0, s18, $0xb8;
	[tilespmem:$0x1D000] =	vst v63  }
0x5e: {  	_ =	swait.ge [sflag:s15], $0x2800  }
0x5f: {  	[sflag:s15] =	ssyncset.done $0x0  }
0x60: {  	s30 =	sadd.s32 $0x400, s30;
	[sflag:s15] =	ssyncadd.s32 $0xFFFFD800  }
0x61: {  	[tilespmem:s19], [sflag:$0x1] =	stream.indirect.gather [hbm4b:s1+s18], $0x80, s24, s18, $0xb8;
	[tilespmem:$0x1D000] =	vst v63  }
0x62: {  	v1 =	vld [tilespmem:$0x1B80];
	_ =	sdelay $0x7  }
0x63: {  	[tilespmem:v1+s16+$0x0] =	vst.idx.add.f32.msk $0xffff, v0  }
0x64: {  	v1 =	vld [tilespmem:$0x1B90];
	_ =	sdelay $0x7  }
0x65: {  	[tilespmem:v1+s16+$0x0] =	vst.idx.add.f32.msk $0xffff, v0  }
0x66: {  	v1 =	vld [tilespmem:$0x1BA0];
	_ =	sdelay $0x7  }
0x67: {  	[tilespmem:v1+s16+$0x0] =	vst.idx.add.f32.msk $0xffff, v0  }
0x68: {  	v1 =	vld [tilespmem:$0x1BB0];
	_ =	sdelay $0x7  }
0x69: {  	[tilespmem:v1+s16+$0x0] =	vst.idx.add.f32.msk $0xffff, v0  }
0x6a: {  	v1 =	vld [tilespmem:$0x1BC0];
	_ =	sdelay $0x7  }
0x6b: {  	[tilespmem:v1+s16+$0x0] =	vst.idx.add.f32.msk $0xffff, v0  }
0x6c: {  	_ =	swait.ge [sflag:s22], $0x2800  }
0x6d: {  	[sflag:s22] =	ssyncset.done $0x0  }
0x6e: {  	[sflag:s22] =	ssyncadd.s32 $0xFFFFD800  }
0x6f: {  	[spmem:s2] =	stream.indirect.scatter.add.f32 [tilespmem:s21], [sflag:$0x3], $0x80, s25, s18, $0xb8;
	[tilespmem:$0x1D000] =	vst v63  }
0x70: {  	_ =	swait.ge [sflag:s15], $0x2800  }
0x71: {  	[sflag:s15] =	ssyncset.done $0x0  }
0x72: {  	[sflag:s15] =	ssyncadd.s32 $0xFFFFD800  }
0x73: {  	v1 =	vld [tilespmem:$0x1C00];
	_ =	sdelay $0x7  }
0x74: {  	[tilespmem:v1+s16+$0x0] =	vst.idx.add.f32.msk $0xffff, v0  }
0x75: {  	v1 =	vld [tilespmem:$0x1C10];
	_ =	sdelay $0x7  }
0x76: {  	[tilespmem:v1+s16+$0x0] =	vst.idx.add.f32.msk $0xffff, v0  }
0x77: {  	v1 =	vld [tilespmem:$0x1C20];
	_ =	sdelay $0x7  }
0x78: {  	[tilespmem:v1+s16+$0x0] =	vst.idx.add.f32.msk $0xffff, v0  }
0x79: {  	v1 =	vld [tilespmem:$0x1C30];
	_ =	sdelay $0x7  }
0x7a: {  	[tilespmem:v1+s16+$0x0] =	vst.idx.add.f32.msk $0xffff, v0  }
0x7b: {  	v1 =	vld [tilespmem:$0x1C40];
	_ =	sdelay $0x7  }
0x7c: {  	[tilespmem:v1+s16+$0x0] =	vst.idx.add.f32.msk $0xffff, v0  }
0x7d: {  	s29 =	sadd.s32 $0x1, s29;
	_ =	swait.ge [sflag:s23], $0x2800  }
0x7e: {  	p0 =	sne.s32 s29, $0x5;
	[sflag:s23] =	ssyncset.done $0x0  }
.Ltmp1:
0x7f: {  	[sflag:s23] =	ssyncadd.s32 $0xFFFFD800;
	(pc) =	sbr.rel @p0 .LBB2_2-.Ltmp1, $4  }
0x80: {  	[spmem:s2] =	stream.indirect.scatter.add.f32 [tilespmem:s19], [sflag:$0x3], $0x80, s26, s18, $0xb8;
	[tilespmem:$0x1D000] =	vst v63  }
0x81: {  	_ =	swait.ge [sflag:s15], $0x2800  }
0x82: {  	[sflag:s15] =	ssyncset.done $0x0  }
0x83: {  	[sflag:s15] =	ssyncadd.s32 $0xFFFFD800  }
0x84: {  	[bflag:$0x0] =	sbarrier.arrive $0xFFFF  }
0x85: {  	[hbm:s11], [sflag:s9] =	dma.local [spmem:s14], $0x2710  }
0x86: {  	s28 =	sadd.s32 $0x1, s28;
	_ =	swait.ge [sflag:s15], $0x2710  }
0x87: {  	p0 =	sne.s32 s28, s13;
	[sflag:s15] =	ssyncset.done $0x0  }
.Ltmp2:
0x88: {  	[sflag:s15] =	ssyncadd.s32 $0xFFFFD8F0;
	(pc) =	sbr.rel @p0 .LBB2_1-.Ltmp2, $4  }
0x89: {  	[hbm4b:s12+s4] =	stream.linear.scatter [tilespmem:s16], [sflag:$0x3], $0x2780, $0x38;
	[tilespmem:$0x1D000] =	vst v63  }
0x8a: {  	_ =	swait.ge [sflag:s15], $0x2780  }
0x8b: {  	[sflag:s15] =	ssyncset.done $0x0  }
0x8c: {  	[sflag:s15] =	ssyncadd.s32 $0xFFFFD880  }
0x8d: {  	_ =	sfence.sel $0x180000  }
0x8e: {  	[bflag:$0x0] =	sbarrier.arrive $0xFFFF  }
0x8f: {  	_ =	strace $0x90000047  }
0x90: {  	[bflag:$0x2] =	sbarrier.arrive $0xFFFF  }
0x91: {  	p0 =	sne.s32 s3, $0x0;
	s0 =	rddreg [dreg:$0x4]  }
0x92: {  	s0 =	sadd.s32 @!p0 $0x100000, s0  }
0x93: {  	[sflag:s0] =	ssyncadd.tile.s32 @!p0 $0x1;
	_ =	shalt  }
.Lfunc_end2:
_tile_overlayer_lowered:
.L_overlay_start_2:
0x94: {  	(tag) =	ssettag $0x2  }
0x95: {  	s0 =	rddreg [dreg:$0x0];
	s2 =	stileid.u32  }
0x96: {  	s1 =	rddreg [dreg:$0x1];
	p0 =	sne.s32 s2, $0x0  }
0x97: {  	s3 =	rddreg [dreg:$0x2];
	[bflag:$0x3] =	sbarrier.arrive $0xFFFF;
	s2 =	simm.s32 @!p0 $0x1C03  }
0x98: {  	[timem:s3], [sflag:s2] =	dma.local @!p0 [hbm:s0], s1  }
0x99: {  	s0 =	simm.s32 @!p0 $0x3  }
0x9a: {  	_ =	swait.ge @!p0 [sflag:s0], s1  }
0x9b: {  	s1 =	ssub.s32 @!p0 $0x0, s1;
	[sflag:s0] =	ssyncset.done @!p0 $0x0  }
0x9c: {  	[sflag:s0] =	ssyncadd.s32 @!p0 s1  }
0x9d: {  	[bflag:$0x3] =	sbarrier.arrive $0xFFFF  }
0x9e: {  	_ =	shalt  }

// kernel: kernel.9.cloned.1.call-start
scs
__scs_entry_jumppad:
0x0: {  	(pc) =	sbr.rel $0x88, $3  }
0x1: {  	(tag) =	ssettag $0x0;
	lr =	simm.s32 $0x1  }
0x2: {  	[smem:$0x3F99] =	sst lr;
	_ =	strace $0xD0000000  }
0x3: {  	_ = 	snop  }
0x4: {  	_ = 	snop  }
0x5: {  	_ = 	snop  }
0x6: {  	_ = 	snop  }
0x7: {  	_ = 	snop  }
__scs_overlays_trampoline_lowered:
0x8: {  	[smem:$0x3FA8] =	sst s0  }
0x9: {  	[smem:$0x3FA9] =	sst s1  }
0xa: {  	[smem:$0x3FAA] =	sst s2  }
0xb: {  	[smem:$0x3FAB] =	sst s3  }
0xc: {  	[smem:$0x3FAC] =	sst s4  }
0xd: {  	[smem:$0x3FAD] =	sst s5  }
0xe: {  	[smem:$0x3FAE] =	sst s6  }
0xf: {  	[smem:$0x3FAF] =	sst s7  }
0x10: {  	[smem:$0x3FB0] =	sst s8  }
0x11: {  	[smem:$0x3FB1] =	sst s9;
	s0 =	simm.s32 @!p0 $0x0  }
0x12: {  	s1 =	sld [smem:$0x3F97];
	s0 =	simm.s32 @p0 $0x1  }
0x13: {  	[smem:$0x3FB2] =	sst s0;
	s0 =	simm.s32 @!p1 $0x0  }
0x14: {  	s2 =	sld [smem:$0x3F96];
	s0 =	simm.s32 @p1 $0x1  }
0x15: {  	[smem:$0x3FB3] =	sst s0;
	s0 =	simm.s32 @!p2 $0x0  }
0x16: {  	s3 =	sld [smem:$0x3FDB];
	s0 =	simm.s32 @p2 $0x1  }
0x17: {  	s4 =	simm.s32 $0x1BF5;
	[smem:$0x3FB5] =	sst s0  }
0x18: {  	s0 =	sld [smem:$0x3F98];
	_ =	swait.ge [sflag:s4], $0x0  }
0x19: {  	s7 =	sld [smem:$0x3F99]  }
0x1a: {  	s8 =	sadd.s32 $0xFFFFE003, lr  }
0x1b: {  	s9 =	sadd.s32 $0xFFFFFEF7, lr;
	s5 =	simm.s32 $0xFFFFFFFF;
	p2 =	slt.u32 s8, $0xFFFFF086  }
0x1c: {  	p1 =	slt.u32 s9, $0xF7A;
	s5 =	simm.s32 @!p2 $0x0  }
0x1d: {  	s5 =	simm.s32 @p1 $0x1;
	p0 =	seq.s32 s7, s2  }
0x1e: {  	s7 =	smul.u32 @!p0 $0xF7A, s2;
	p2 =	seq.s32 @!p0 s5, $0x0  }
0x1f: {  	s9 =	smul.u32 $0xF7A, s1;
	s8 =	simm.s32 @!p0 $0x1BF5;
	p2 =	por !p2, p0  }
0x20: {  	[sflag:s8] =	ssyncset.s32 @!p0 $0xFFFFF086;
	s6 =	sadd.s32 @!p0 s3, s7;
	s7 =	simm.s32 @!p0 $0x108  }
0x21: {  	s3 =	sadd.s32 s3, s9;
	s6 =	sadd.s32 @!p0 $0x88, s6;
	s7 =	simm.s32 @p2 $0x1082  }
0x22: {  	[simem:s7], [sflag:s8] =	dma.local @!p0 [hbm:s6], $0xF7A  }
0x23: {  	s9 =	sor.u32 $0xD0000000, s2;
	s6 =	simm.s32 $0x108;
	_ =	swait.ge @!p0 [sflag:s8], $0x0  }
0x24: {  	s3 =	sadd.s32 $0x88, s3;
	s6 =	simm.s32 @!p1 $0x1082;
	[sflag:s4] =	ssyncset.s32 $0xFFFFF086  }
0x25: {  	[simem:s6], [sflag:s4] =	dma.local [hbm:s3], $0xF7A  }
0x26: {  	[smem:$0x3F99] =	sst s1;
	(tag) =	ssettag s2;
	_ =	strace s9  }
0x27: {  	s1 =	sld [smem:$0x3FA9]  }
0x28: {  	s2 =	sld [smem:$0x3FAA]  }
0x29: {  	s4 =	sld [smem:$0x3FAC]  }
0x2a: {  	p0 =	seq.s32 s5, $0x0;
	s5 =	sld [smem:$0x3FAD]  }
0x2b: {  	s6 =	sld [smem:$0x3FAE]  }
0x2c: {  	s7 =	sld [smem:$0x3FAF]  }
0x2d: {  	s3 =	simm.s32 $0x108;
	s8 =	sld [smem:$0x3FB0]  }
0x2e: {  	s3 =	simm.s32 @!p0 $0x1082;
	s9 =	sld [smem:$0x3FB1]  }
0x2f: {  	lr =	sadd.s32 s0, s3;
	s0 =	sld [smem:$0x3FA8]  }
0x30: {  	s3 =	sld [smem:$0x3FAB]  }
0x31: {  	[smem:$0x3FB4] =	sst s10  }
0x32: {  	s10 =	sld [smem:$0x3FB2];
	_ =	sdelay $0x3  }
0x33: {  	p0 =	seq.s32 s10, $0x1;
	s10 =	sld [smem:$0x3FB4];
	_ =	sdelay $0x3  }
0x34: {  	[smem:$0x3FB4] =	sst s10  }
0x35: {  	s10 =	sld [smem:$0x3FB3];
	_ =	sdelay $0x3  }
0x36: {  	p1 =	seq.s32 s10, $0x1;
	s10 =	sld [smem:$0x3FB4];
	_ =	sdelay $0x3  }
0x37: {  	[smem:$0x3FB4] =	sst s10  }
0x38: {  	s10 =	sld [smem:$0x3FB5]  }
0x39: {  	_ = 	snop;
	(pc) =	sbr.ind lr, $3  }
0x3a: {  	_ = 	snop  }
0x3b: {  	_ = 	snop  }
0x3c: {  	p2 =	seq.s32 s10, $0x1;
	s10 =	sld [smem:$0x3FB4]  }
0x3d: {  	_ =	shalt  }
0x3e: {  	_ =	shalt  }
0x3f: {  	_ =	shalt  }
0x40: {  	_ =	shalt  }
0x41: {  	_ =	shalt  }
0x42: {  	_ =	shalt  }
0x43: {  	_ =	shalt  }
0x44: {  	_ =	shalt  }
0x45: {  	_ =	shalt  }
0x46: {  	_ =	shalt  }
0x47: {  	_ =	shalt  }
0x48: {  	_ =	shalt  }
0x49: {  	_ =	shalt  }
0x4a: {  	_ =	shalt  }
0x4b: {  	_ =	shalt  }
0x4c: {  	_ =	shalt  }
0x4d: {  	_ =	shalt  }
0x4e: {  	_ =	shalt  }
0x4f: {  	_ =	shalt  }
0x50: {  	_ =	shalt  }
0x51: {  	_ =	shalt  }
0x52: {  	_ =	shalt  }
0x53: {  	_ =	shalt  }
0x54: {  	_ =	shalt  }
0x55: {  	_ =	shalt  }
0x56: {  	_ =	shalt  }
0x57: {  	_ =	shalt  }
0x58: {  	_ =	shalt  }
0x59: {  	_ =	shalt  }
0x5a: {  	_ =	shalt  }
0x5b: {  	_ =	shalt  }
0x5c: {  	_ =	shalt  }
0x5d: {  	_ =	shalt  }
0x5e: {  	_ =	shalt  }
0x5f: {  	_ =	shalt  }
0x60: {  	_ =	shalt  }
0x61: {  	_ =	shalt  }
0x62: {  	_ =	shalt  }
0x63: {  	_ =	shalt  }
0x64: {  	_ =	shalt  }
0x65: {  	_ =	shalt  }
0x66: {  	_ =	shalt  }
0x67: {  	_ =	shalt  }
0x68: {  	_ =	shalt  }
0x69: {  	_ =	shalt  }
0x6a: {  	_ =	shalt  }
0x6b: {  	_ =	shalt  }
0x6c: {  	_ =	shalt  }
0x6d: {  	_ =	shalt  }
0x6e: {  	_ =	shalt  }
0x6f: {  	_ =	shalt  }
0x70: {  	_ =	shalt  }
0x71: {  	_ =	shalt  }
0x72: {  	_ =	shalt  }
0x73: {  	_ =	shalt  }
0x74: {  	_ =	shalt  }
0x75: {  	_ =	shalt  }
0x76: {  	_ =	shalt  }
0x77: {  	_ =	shalt  }
0x78: {  	_ =	shalt  }
0x79: {  	_ =	shalt  }
0x7a: {  	_ =	shalt  }
0x7b: {  	_ =	shalt  }
0x7c: {  	_ =	shalt  }
0x7d: {  	_ =	shalt  }
0x7e: {  	_ =	shalt  }
0x7f: {  	_ =	shalt  }
0x80: {  	_ =	shalt  }
0x81: {  	_ =	shalt  }
0x82: {  	_ =	shalt  }
0x83: {  	_ =	shalt  }
0x84: {  	_ =	shalt  }
0x85: {  	_ =	shalt  }
0x86: {  	_ =	shalt  }
0x87: {  	_ =	shalt  }
.Lfunc_end0:
.L_simem_size_0:
called_computation.1_lowered:
.L_overlay_start_0:
0x88: {  	s2 =	sld [smem:$0x3FD9]  }
0x89: {  	s3 =	sld [smem:$0x3FFE];
	_ =	sdelay $0x1  }
0x8a: {  	s1 =	srdreg.scid  }
0x8b: {  	s0 =	sand.u32 $0x1, s1  }
0x8c: {  	s17 =	sshll.u32 s0, $0xA;
	s2 =	sadd.s32 s3, s2  }
0x8d: {  	s2 =	sadd.s32 s2, s17  }
0x8e: {  	[smem:$0x3FC0] =	sst s2  }
0x8f: {  	_ = 	snop  }
0x90: {  	s2 =	sld [smem:$0x3FD0];
	(tm) =	ssettm $0x1  }
0x91: {  	s18 =	sld [smem:$0x3FFB];
	_ =	sdelay $0x3  }
0x92: {  	_ =	strace s18  }
0x93: {  	s3 =	sld [smem:$0x3FFC];
	_ =	sdelay $0x3  }
0x94: {  	_ =	strace s3  }
0x95: {  	s3 =	sld [smem:$0x3FFD];
	_ =	sdelay $0x3  }
0x96: {  	_ =	strace s3  }
0x97: {  	_ =	strace $0x8FFFFFFF  }
0x98: {  	s19 =	sld [smem:$0x3FDB];
	_ =	sdelay $0x1  }
0x99: {  	s4 =	simm.s32 $_scs_section_size  }
0x9a: {  	s5 =	simm.s32 $_size__tile_overlayer_lowered;
	s6 =	simm.s32 $_tile_overlayer_lowered  }
0x9b: {  	s22 =	simm.s32 $0x1BFF;
	s21 =	sshll.u32 s6, $0x1;
	s3 =	sadd.s32 s4, s19  }
0x9c: {  	s7 =	simm.s32 $0x0;
	s20 =	sshll.u32 s5, $0x1;
	s5 =	sadd.s32 s21, s3  }
0x9d: {  	[timem:s7], [sflag:s22] =	dma.local [hbm:s5], s20  }
0x9e: {  	_ =	swait.ge [sflag:s22], s20  }
0x9f: {  	s4 =	ssub.s32 $0x0, s20;
	[sflag:s22] =	ssyncset.done $0x0  }
0xa0: {  	[sflag:s22] =	ssyncadd.s32 s4;
	_ =	sdelay $0x1  }
0xa1: {  	s23 =	simm.s32 $0x1B8B  }
0xa2: {  	_ =	swait.ge [sflag:s23], $0x1  }
0xa3: {  	[sflag:s23] =	ssyncset.done $0x0  }
0xa4: {  	s25 =	simm.s32 $0x1B8E;
	s24 =	sld [smem:$0x3FFE];
	[sflag:s23] =	ssyncadd.s32 $0xFFFFFFFF  }
0xa5: {  	s26 =	simm.s32 $execute0_lowered;
	[smem:$0x3FD2] =	sst s25  }
0xa6: {  	s5 =	sshll.u32 s26, $0x1;
	_ =	strace $0x80000049;
	[dreg:$0x1] =	wrdreg $0xFFFFFFFF  }
0xa7: {  	s28 =	simm.s32 $_size_execute0_lowered;
	s3 =	sadd.s32 s3, s5;
	[dreg:$0x0] =	wrdreg $0x0  }
0xa8: {  	s5 =	sshll.u32 s28, $0x1;
	[dreg:$0x2] =	wrdreg s3  }
0xa9: {  	[dreg:$0x3] =	wrdreg s5  }
0xaa: {  	[dreg:$0x4] =	wrdreg $0xC0  }
0xab: {  	_ =	task [dreg:s7], $0x5FFFF  }
0xac: {  	[dreg:$0x1] =	wrdreg $0xFFFFFFFF  }
0xad: {  	[dreg:$0x0] =	wrdreg $0x60  }
0xae: {  	[dreg:$0x2] =	wrdreg s2  }
0xaf: {  	[dreg:$0x3] =	wrdreg s24  }
0xb0: {  	[dreg:$0x4] =	wrdreg $0x70000  }
0xb1: {  	[dreg:$0x5] =	wrdreg $0x9  }
0xb2: {  	_ =	task.clear_ibuf [dreg:s7], $0x6FFFF;
	_ =	strace $0x90000049  }
0xb3: {  	s29 =	simm.s32 $0x9;
	_ =	strace $0x8000004B  }
0xb4: {  	_ =	swait.ge [sflag:s29], $0x1  }
0xb5: {  	[sflag:s29] =	ssyncadd.s32 $0xFFFFFFFF  }
0xb6: {  	_ =	strace $0x9000004B  }
0xb7: {  	_ =	sfence  }
0xb8: {  	s30 =	sld [smem:$0x0];
	_ =	sdelay $0x2  }
0xb9: {  	s31 =	sshll.u32 s1, $0xD;
	s1 =	sshrl.u32 s1, $0x2  }
0xba: {  	s3 =	sand.u32 $0x4000, s31;
	s1 =	sadd.s32 s1, s30  }
0xbb: {  	s0 =	sor.u32 s3, s0;
	s1 =	sshll.u32 s1, $0x11  }
0xbc: {  	s0 =	sor.u32 s1, s0  }
0xbd: {  	s0 =	sadd.s32 $0x8F2B, s0  }
0xbe: {  	[sflag:s0] =	ssyncadd.remote.s32 $0x1  }
0xbf: {  	_ =	sfence.sel $0xFFFF  }
0xc0: {  	[dreg:$0x0] =	wrdreg $0xFFFFFFFF;
	(pc) =	sbr.abs _section_cstart, $3  }
0xc1: {  	[dreg:$0x1] =	wrdreg $0xFFFFFFFF  }
0xc2: {  	_ =	task.clear_ibuf [dreg:s7], $0x2FFFF;
	_ =	strace $0x9FFFFFFF  }
0xc3: {  	(tm) =	ssettm $0x7FFFFFFF  }
tec
execute0_lowered:
.L_overlay_start_1:
0x0: {  	(tag) =	ssettag $0x1  }
0x1: {  	s1 =	rddreg [dreg:$0x0]  }
0x2: {  	s8 =	rddreg [dreg:$0x1]  }
0x3: {  	s2 =	rddreg [dreg:$0x2]  }
0x4: {  	s3 =	srdreg.scid;
	s0 =	rddreg [dreg:$0x3]  }
0x5: {  	s4 =	simm.s32 $0x0;
	s14 =	simm.s32 $0x1000;
	s15 =	simm.s32 $0x50  }
0x6: {  	s16 =	simm.s32 $0x2000;
	s17 =	simm.s32 $0x80;
	s18 =	simm.s32 $0x4800  }
0x7: {  	s19 =	simm.s32 $0x2;
	s20 =	simm.s32 $0x1;
	s21 =	simm.s32 $0xC00  }
0x8: {  	s22 =	simm.s32 $0x1B80;
	s23 =	simm.s32 $0x1C00;
	s24 =	simm.s32 $0x0  }
0x9: {  	s9 =	sand.u32 $0x1, s3;
	s3 =	stileid.u32;
	[smem:$0x7FF] =	sst s4  }
0xa: {  	s5 =	sadd.s32 $0x15E00, s8;
	s6 =	sadd.s32 $0x1E00, s8;
	s10 =	smul.u32 $0x13C000, s9  }
0xb: {  	s7 =	sadd.s32 $0x2A400, s8;
	s11 =	smul.u32 $0x13C00, s3;
	_ =	strace $0x8000004A  }
0xc: {  	s28 =	ssub.s32 $0x2, s9;
	s13 =	smul.u32 $0x4E200, s3;
	s29 =	sshll.u32 s9, $0x4  }
0xd: {  	s31 =	sshll.u32 s3, $0x6;
	s12 =	sshrl.u32 s28, $0x1;
	s9 =	sor.u32 s3, s29  }
0xe: {  	s10 =	sadd.s32 s11, s10;
	s11 =	ssub.s32 s28, s12;
	s30 =	sshrl.u32 s13, $0x2  }
0xf: {  	s9 =	smul.u32 $0x5000, s9;
	s10 =	sshrl.u32 s10, $0x3;
	s13 =	sadd.s32 s30, s2  }
0x10: {  	s11 =	smax.u32 s11, $0x1;
	s10 =	sadd.s32 s10, s8;
	s8 =	sor.u32 $0x1C03, s31  }
0x11: {  	s12 =	sshrl.u32 s13, $0x3;
	s13 =	simm.s32 $0x3;
	s10 =	sadd.s32 $0x2CC00, s10  }
.LBB2_1:
0x12: {  	[spmem:s12], [sflag:s8] =	dma.local [hbm:s7], $0x2710  }
0x13: {  	_ =	swait.ge [sflag:s13], $0x2710  }
0x14: {  	[sflag:s13] =	ssyncset.done $0x0  }
0x15: {  	[sflag:s13] =	ssyncadd.s32 $0xFFFFD8F0  }
0x16: {  	s25 =	simm.s32 $0x0;
	[bflag:$0x0] =	sbarrier.arrive $0xFFFF  }
.LBB2_2:
0x17: {  	s26 =	sshll.u32 s25, $0xC  }
0x18: {  	s26 =	sadd.s32 s9, s26  }
0x19: {  	s26 =	sshrl.u32 s26, $0x3  }
0x1a: {  	s28 =	sadd.s32 s5, s26  }
0x1b: {  	[tilespmem:s4], [sflag:$0x3] =	stream.linear.gather [hbm4b:s28+s4], $0xC80, $0x38;
	[tilespmem:$0x1A880] =	vst v63  }
0x1c: {  	_ =	swait.ge [sflag:s13], $0xC80  }
0x1d: {  	[sflag:s13] =	ssyncset.done $0x0  }
0x1e: {  	s26 =	sadd.s32 s6, s26;
	[sflag:s13] =	ssyncadd.s32 $0xFFFFF380  }
0x1f: {  	[tilespmem:s14], [sflag:$0x3] =	stream.linear.gather [hbm4b:s26+s4], $0xC80, $0x38;
	[tilespmem:$0x1A880] =	vst v63  }
0x20: {  	_ =	swait.ge [sflag:s13], $0xC80  }
0x21: {  	[sflag:s13] =	ssyncset.done $0x0  }
0x22: {  	[sflag:s13] =	ssyncadd.s32 $0xFFFFF380  }
0x23: {  	[tilespmem:s16], [sflag:$0x3] =	stream.indirect.gather [hbm4b:s1+s15], $0x80, s4, s15, $0xb8;
	[tilespmem:$0x1A880] =	vst v63  }
0x24: {  	_ =	swait.ge [sflag:s13], $0x2800  }
0x25: {  	[sflag:s13] =	ssyncset.done $0x0  }
0x26: {  	[sflag:s13] =	ssyncadd.s32 $0xFFFFD800  }
0x27: {  	[spmem:s2] =	stream.indirect.scatter.add.f32 [tilespmem:s16], [sflag:$0x3], $0x80, s14, s15, $0xb8;
	[tilespmem:$0x1A880] =	vst v63  }
0x28: {  	_ =	swait.ge [sflag:s13], $0x2800  }
0x29: {  	[sflag:s13] =	ssyncset.done $0x0  }
0x2a: {  	[sflag:s13] =	ssyncadd.s32 $0xFFFFD800  }
0x2b: {  	[tilespmem:s18], [sflag:$0x2] =	stream.indirect.gather [hbm4b:s1+s15], $0x80, s17, s15, $0xb8;
	[tilespmem:$0x1A880] =	vst v63  }
0x2c: {  	s31 =	simm.s32 $0x100  }
0x2d: {  	[tilespmem:s16], [sflag:$0x1] =	stream.indirect.gather [hbm4b:s1+s15], $0x80, s31, s15, $0xb8;
	[tilespmem:$0x1A880] =	vst v63  }
0x2e: {  	_ =	swait.ge [sflag:s19], $0x2800  }
0x2f: {  	[sflag:s19] =	ssyncset.done $0x0  }
0x30: {  	s29 =	simm.s32 $0x1080;
	[sflag:s19] =	ssyncadd.s32 $0xFFFFD800  }
0x31: {  	[spmem:s2] =	stream.indirect.scatter.add.f32 [tilespmem:s18], [sflag:$0x3], $0x80, s29, s15, $0xb8;
	[tilespmem:$0x1A880] =	vst v63  }
0x32: {  	_ =	swait.ge [sflag:s13], $0x2800  }
0x33: {  	[sflag:s13] =	ssyncset.done $0x0  }
0x34: {  	s30 =	simm.s32 $0x180;
	[sflag:s13] =	ssyncadd.s32 $0xFFFFD800  }
0x35: {  	[tilespmem:s18], [sflag:$0x2] =	stream.indirect.gather [hbm4b:s1+s15], $0x80, s30, s15, $0xb8;
	[tilespmem:$0x1A880] =	vst v63  }
0x36: {  	_ =	swait.ge [sflag:s20], $0x2800  }
0x37: {  	[sflag:s20] =	ssyncset.done $0x0  }
0x38: {  	s31 =	simm.s32 $0x1100;
	[sflag:s20] =	ssyncadd.s32 $0xFFFFD800  }
0x39: {  	[spmem:s2] =	stream.indirect.scatter.add.f32 [tilespmem:s16], [sflag:$0x3], $0x80, s31, s15, $0xb8;
	[tilespmem:$0x1A880] =	vst v63  }
0x3a: {  	_ =	swait.ge [sflag:s13], $0x2800  }
0x3b: {  	s28 =	simm.s32 $0xFFFFDC00;
	s26 =	simm.s32 $0xFFFFF600;
	[sflag:s13] =	ssyncset.done $0x0  }
.LBB2_3:
0x3c: {  	s29 =	sadd.s32 $0xC00, s26  }
0x3d: {  	[sflag:s13] =	ssyncadd.s32 $0xFFFFD800;
	s30 =	smov.u32 s28;
	s31 =	sadd.s32 $0x400, s28  }
0x3e: {  	[tilespmem:s16], [sflag:$0x1] =	stream.indirect.gather [hbm4b:s1+s15], $0x80, s29, s15, $0xb8;
	[tilespmem:$0x1A880] =	vst v63  }
0x3f: {  	p0 =	sne.s32 s28, $0xFFFFFC00;
	_ =	swait.ge [sflag:s19], $0x2800  }
0x40: {  	[sflag:s19] =	ssyncset.done $0x0  }
0x41: {  	s28 =	sadd.s32 $0x1B80, s26;
	[sflag:s19] =	ssyncadd.s32 $0xFFFFD800  }
0x42: {  	[spmem:s2] =	stream.indirect.scatter.add.f32 [tilespmem:s18], [sflag:$0x3], $0x80, s28, s15, $0xb8;
	[tilespmem:$0x1A880] =	vst v63  }
0x43: {  	_ =	swait.ge [sflag:s13], $0x2800  }
0x44: {  	[sflag:s13] =	ssyncset.done $0x0  }
0x45: {  	s28 =	sadd.s32 $0xC80, s26;
	[sflag:s13] =	ssyncadd.s32 $0xFFFFD800  }
0x46: {  	[tilespmem:s18], [sflag:$0x2] =	stream.indirect.gather [hbm4b:s1+s15], $0x80, s28, s15, $0xb8;
	[tilespmem:$0x1A880] =	vst v63  }
0x47: {  	_ =	swait.ge [sflag:s20], $0x2800  }
.Ltmp0:
0x48: {  	[sflag:s20] =	ssyncset.done $0x0;
	(pc) =	sbr.rel @p0 .LBB2_3-.Ltmp0, $4  }
0x49: {  	s26 =	sadd.s32 $0x1C00, s26;
	[sflag:s20] =	ssyncadd.s32 $0xFFFFD800  }
0x4a: {  	[spmem:s2] =	stream.indirect.scatter.add.f32 [tilespmem:s16], [sflag:$0x3], $0x80, s26, s15, $0xb8;
	[tilespmem:$0x1A880] =	vst v63  }
0x4b: {  	_ =	swait.ge [sflag:s13], $0x2800  }
0x4c: {  	s28 =	smov.u32 s31;
	s26 =	sshra.s32 s30, $0x2;
	[sflag:s13] =	ssyncset.done $0x0  }
0x4d: {  	s28 =	sadd.s32 $0xC00, s26;
	[sflag:s13] =	ssyncadd.s32 $0xFFFFD800  }
0x4e: {  	[tilespmem:s16], [sflag:$0x1] =	stream.indirect.gather [hbm4b:s1+s15], $0x80, s28, s15, $0xb8;
	[tilespmem:$0x1A880] =	vst v63  }
0x4f: {  	_ =	swait.ge [sflag:s19], $0x2800  }
0x50: {  	[sflag:s19] =	ssyncset.done $0x0  }
0x51: {  	s29 =	sadd.s32 $0x1B80, s26;
	[sflag:s19] =	ssyncadd.s32 $0xFFFFD800  }
0x52: {  	[spmem:s2] =	stream.indirect.scatter.add.f32 [tilespmem:s18], [sflag:$0x3], $0x80, s29, s15, $0xb8;
	[tilespmem:$0x1A880] =	vst v63  }
0x53: {  	_ =	swait.ge [sflag:s13], $0x2800  }
0x54: {  	[sflag:s13] =	ssyncset.done $0x0  }
0x55: {  	s30 =	sadd.s32 $0xC80, s26;
	[sflag:s13] =	ssyncadd.s32 $0xFFFFD800  }
0x56: {  	[tilespmem:s18], [sflag:$0x2] =	stream.indirect.gather [hbm4b:s1+s15], $0x80, s30, s15, $0xb8;
	[tilespmem:$0x1A880] =	vst v63  }
0x57: {  	_ =	swait.ge [sflag:s20], $0x2800  }
0x58: {  	[sflag:s20] =	ssyncset.done $0x0  }
0x59: {  	s31 =	sadd.s32 $0x1C00, s26;
	[sflag:s20] =	ssyncadd.s32 $0xFFFFD800  }
0x5a: {  	[spmem:s2] =	stream.indirect.scatter.add.f32 [tilespmem:s16], [sflag:$0x3], $0x80, s31, s15, $0xb8;
	[tilespmem:$0x1A880] =	vst v63  }
0x5b: {  	_ =	swait.ge [sflag:s13], $0x2800  }
0x5c: {  	[sflag:s13] =	ssyncset.done $0x0  }
0x5d: {  	[sflag:s13] =	ssyncadd.s32 $0xFFFFD800  }
0x5e: {  	[tilespmem:s16], [sflag:$0x1] =	stream.indirect.gather [hbm4b:s1+s15], $0x80, s21, s15, $0xb8;
	[tilespmem:$0x1A880] =	vst v63  }
0x5f: {  	_ =	swait.ge [sflag:s19], $0x2800  }
0x60: {  	[sflag:s19] =	ssyncset.done $0x0  }
0x61: {  	[sflag:s19] =	ssyncadd.s32 $0xFFFFD800  }
0x62: {  	[spmem:s2] =	stream.indirect.scatter.add.f32 [tilespmem:s18], [sflag:$0x3], $0x80, s22, s15, $0xb8;
	[tilespmem:$0x1A880] =	vst v63  }
0x63: {  	_ =	swait.ge [sflag:s13], $0x2800  }
0x64: {  	[sflag:s13] =	ssyncset.done $0x0  }
0x65: {  	[sflag:s13] =	ssyncadd.s32 $0xFFFFD800  }
0x66: {  	s25 =	sadd.s32 $0x1, s25;
	_ =	swait.ge [sflag:s20], $0x2800  }
0x67: {  	p0 =	sne.s32 s25, $0x5;
	[sflag:s20] =	ssyncset.done $0x0  }
.Ltmp1:
0x68: {  	[sflag:s20] =	ssyncadd.s32 $0xFFFFD800;
	(pc) =	sbr.rel @p0 .LBB2_2-.Ltmp1, $4  }
0x69: {  	[spmem:s2] =	stream.indirect.scatter.add.f32 [tilespmem:s16], [sflag:$0x3], $0x80, s23, s15, $0xb8;
	[tilespmem:$0x1A880] =	vst v63  }
0x6a: {  	_ =	swait.ge [sflag:s13], $0x2800  }
0x6b: {  	[sflag:s13] =	ssyncset.done $0x0  }
0x6c: {  	[sflag:s13] =	ssyncadd.s32 $0xFFFFD800  }
0x6d: {  	s24 =	sadd.s32 $0x1, s24  }
0x6e: {  	p0 =	sne.s32 s24, s11  }
.Ltmp2:
0x6f: {  	[bflag:$0x0] =	sbarrier.arrive $0xFFFF;
	(pc) =	sbr.rel @p0 .LBB2_1-.Ltmp2, $4  }
0x70: {  	[hbm:s10], [sflag:s8] =	dma.local [spmem:s12], $0x2710  }
0x71: {  	_ =	swait.ge [sflag:s13], $0x2710  }
0x72: {  	[sflag:s13] =	ssyncset.done $0x0  }
0x73: {  	[sflag:s13] =	ssyncadd.s32 $0xFFFFD8F0  }
0x74: {  	_ =	sfence.sel $0x180000  }
0x75: {  	[bflag:$0x0] =	sbarrier.arrive $0xFFFF  }
0x76: {  	p0 =	sne.s32 s3, $0x0;
	_ =	strace $0x9000004A  }
0x77: {  	s0 =	sadd.s32 @!p0 $0x100000, s0;
	[bflag:$0x2] =	sbarrier.arrive $0xFFFF  }
0x78: {  	[sflag:s0] =	ssyncadd.tile.s32 @!p0 $0x1;
	_ =	shalt  }
.Lfunc_end2:
_tile_overlayer_lowered:
.L_overlay_start_2:
0x79: {  	(tag) =	ssettag $0x2  }
0x7a: {  	s0 =	rddreg [dreg:$0x0];
	s2 =	stileid.u32  }
0x7b: {  	s1 =	rddreg [dreg:$0x1];
	p0 =	sne.s32 s2, $0x0  }
0x7c: {  	s3 =	rddreg [dreg:$0x2];
	[bflag:$0x3] =	sbarrier.arrive $0xFFFF;
	s2 =	simm.s32 @!p0 $0x1C03  }
0x7d: {  	[timem:s3], [sflag:s2] =	dma.local @!p0 [hbm:s0], s1  }
0x7e: {  	s0 =	simm.s32 @!p0 $0x3  }
0x7f: {  	_ =	swait.ge @!p0 [sflag:s0], s1  }
0x80: {  	s1 =	ssub.s32 @!p0 $0x0, s1;
	[sflag:s0] =	ssyncset.done @!p0 $0x0  }
0x81: {  	[sflag:s0] =	ssyncadd.s32 @!p0 s1  }
0x82: {  	[bflag:$0x3] =	sbarrier.arrive $0xFFFF  }
0x83: {  	_ =	shalt  }

</sc_bundles>
